<compile_context>
chip_gen: v7x
topology: tpu7x:2x2x1
jax: 0.10.2.dev20260603
libtpu: 0.0.44.dev20260713+nightly
codegen_flags: <defaults>
</compile_context>

<pallas_src>
import dataclasses
import functools

import jax
import jax.numpy as jnp
from jax import lax
from jax.experimental import pallas as pl
from jax.experimental.pallas import tpu as pltpu
from jax.experimental.pallas import tpu_sc as plsc

N = 10000
E = 320000
H = 128
G = 64
C = 10
EPS = 1e-5

NC = 2
NS = 16
NW = NC * NS
K = 128
CPT = 79
E_PAD = NW * CPT * K
NP = 10240
RPT = NP // NS
ZB = 128
DUMP = NP - 1

_mesh = plsc.VectorSubcoreMesh(
    core_axis_name="c", subcore_axis_name="s", num_cores=NC, num_subcores=NS
)
_sc_no_layout = dataclasses.replace(
    pltpu.CompilerParams(), needs_layout_passes=False
)



@functools.partial(
    pl.kernel,
    out_type=jax.ShapeDtypeStruct((NW, NP), jnp.float32),
    mesh=_mesh,
    scratch_types=[
        pltpu.VMEM((K,), jnp.int32),
        pltpu.VMEM((NP,), jnp.float32),
    ],
    compiler_params=_sc_no_layout,
)
def _sc_degree(col_hbm, out, colbuf, hist_v):
    cid = lax.axis_index("c")
    sid = lax.axis_index("s")
    wid = cid * NS + sid

    @pl.loop(0, NP, step=16)
    def _(r):
        hist_v[pl.ds(r, 16)] = jnp.zeros((16,), jnp.float32)

    ones16 = jnp.ones((16,), jnp.float32)

    @pl.loop(0, CPT)
    def _(j):
        pltpu.sync_copy(col_hbm.at[wid, j], colbuf)

        @pl.loop(0, K, step=16)
        def _(q):
            idx = colbuf[pl.ds(q, 16)]
            plsc.addupdate_scatter(hist_v, [idx], ones16)

    pltpu.sync_copy(hist_v, out.at[wid])


@functools.partial(
    pl.kernel,
    out_type=jax.ShapeDtypeStruct((2 * NP, H), jnp.float32),
    mesh=_mesh,
    scratch_types=[
        pltpu.VMEM((K,), jnp.int32),
        pltpu.VMEM((K,), jnp.int32),
        pltpu.VMEM((K, H), jnp.float32),
        pltpu.VMEM((ZB, H), jnp.float32),
        pltpu.VMEM_SHARED((NP, H), jnp.float32),
        pltpu.SemaphoreType.DMA,
    ],
)
def _sc_aggregate(xs_hbm, row_hbm, col_hbm, zero_hbm, out, rowbuf, colbuf,
                  buf, z_v, acc, sem):
    cid = lax.axis_index("c")
    sid = lax.axis_index("s")
    wid = cid * NS + sid

    pltpu.sync_copy(zero_hbm, z_v)

    @pl.loop(0, RPT, step=ZB)
    def _(r):
        pltpu.sync_copy(z_v, acc.at[pl.ds(sid * RPT + r, ZB)])

    plsc.subcore_barrier()

    @pl.loop(0, CPT)
    def _(j):
        pltpu.sync_copy(row_hbm.at[wid, j], rowbuf)
        pltpu.sync_copy(col_hbm.at[wid, j], colbuf)
        pltpu.async_copy(xs_hbm.at[rowbuf], buf, sem).wait()
        pltpu.sync_copy(buf, acc.at[colbuf], add=True)

    plsc.subcore_barrier()

    @pl.loop(0, RPT, step=ZB)
    def _(r):
        pltpu.sync_copy(acc.at[pl.ds(sid * RPT + r, ZB)], z_v)
        pltpu.sync_copy(z_v, out.at[pl.ds(cid * NP + sid * RPT + r, ZB)])



_BLK = 1024
_NBLK = NP // _BLK


def _tc_dinv(degs):
    def body(d_ref, o_ref):
        s = jnp.sum(d_ref[...], axis=0, keepdims=True) + 1.0
        o_ref[...] = jnp.transpose(lax.rsqrt(s))

    return pl.pallas_call(
        body,
        out_shape=jax.ShapeDtypeStruct((NP, 1), jnp.float32),
    )(degs)


def _tc_matmul_scale(h, W, dinv):
    def body(h_ref, w_ref, d_ref, o_ref):
        o_ref[...] = d_ref[...] * jnp.dot(
            h_ref[...], w_ref[...], preferred_element_type=jnp.float32
        )

    return pl.pallas_call(
        body,
        grid=(_NBLK,),
        in_specs=[
            pl.BlockSpec((_BLK, H), lambda i: (i, 0)),
            pl.BlockSpec((H, H), lambda i: (0, 0)),
            pl.BlockSpec((_BLK, 1), lambda i: (i, 0)),
        ],
        out_specs=pl.BlockSpec((_BLK, H), lambda i: (i, 0)),
        out_shape=jax.ShapeDtypeStruct((NP, H), jnp.float32),
    )(h, W, dinv)


def _tc_combine(p, xs, dinv, b, g, be):
    def body(p0_ref, p1_ref, xs_ref, d_ref, b_ref, g_ref, be_ref, o_ref):
        gg = g_ref[...] * lax.rsqrt(jnp.float32(1.0 + EPS))
        agg = d_ref[...] * (p0_ref[...] + p1_ref[...] + xs_ref[...]) + b_ref[...]
        o_ref[...] = jnp.maximum(gg * agg + be_ref[...], 0.0)

    return pl.pallas_call(
        body,
        grid=(_NBLK,),
        in_specs=[
            pl.BlockSpec((_BLK, H), lambda i: (i, 0)),
            pl.BlockSpec((_BLK, H), lambda i: (_NBLK + i, 0)),
            pl.BlockSpec((_BLK, H), lambda i: (i, 0)),
            pl.BlockSpec((_BLK, 1), lambda i: (i, 0)),
            pl.BlockSpec((1, H), lambda i: (0, 0)),
            pl.BlockSpec((1, H), lambda i: (0, 0)),
            pl.BlockSpec((1, H), lambda i: (0, 0)),
        ],
        out_specs=pl.BlockSpec((_BLK, H), lambda i: (i, 0)),
        out_shape=jax.ShapeDtypeStruct((NP, H), jnp.float32),
    )(p, p, xs, dinv, b.reshape(1, H), g.reshape(1, H), be.reshape(1, H))


def _tc_pool_head(h, batch2d, lw1, lb1, g4, be4, lw2, lb2):
    def body(h_ref, b_ref, lw1_ref, lb1_ref, g4_ref, be4_ref, lw2_ref, lb2_ref,
             o_ref, sums, cnt):
        i = pl.program_id(0)

        @pl.when(i == 0)
        def _():
            sums[...] = jnp.zeros_like(sums)
            cnt[...] = jnp.zeros_like(cnt)

        seg = b_ref[...]
        onehot = (seg == lax.broadcasted_iota(jnp.int32, (_BLK, G), 1)).astype(
            jnp.float32
        )
        sums[...] += lax.dot_general(
            onehot, h_ref[...], (((0,), (0,)), ((), ())),
            preferred_element_type=jnp.float32,
        )
        cnt[...] += jnp.sum(onehot, axis=0, keepdims=True)

        @pl.when(i == _NBLK - 1)
        def _():
            p = sums[...] / jnp.maximum(cnt[...], 1.0).T
            gg = g4_ref[...] * lax.rsqrt(jnp.float32(1.0 + EPS))
            q = jnp.dot(p, lw1_ref[...], preferred_element_type=jnp.float32)
            q = jnp.maximum(gg * (q + lb1_ref[...]) + be4_ref[...], 0.0)
            o_ref[...] = (
                jnp.dot(q, lw2_ref[...], preferred_element_type=jnp.float32)
                + lb2_ref[...]
            )

    return pl.pallas_call(
        body,
        grid=(_NBLK,),
        in_specs=[
            pl.BlockSpec((_BLK, H), lambda i: (i, 0)),
            pl.BlockSpec((_BLK, 1), lambda i: (i, 0)),
            pl.BlockSpec((H, H), lambda i: (0, 0)),
            pl.BlockSpec((1, H), lambda i: (0, 0)),
            pl.BlockSpec((1, H), lambda i: (0, 0)),
            pl.BlockSpec((1, H), lambda i: (0, 0)),
            pl.BlockSpec((H, C), lambda i: (0, 0)),
            pl.BlockSpec((1, C), lambda i: (0, 0)),
        ],
        out_specs=pl.BlockSpec((G, C), lambda i: (0, 0)),
        out_shape=jax.ShapeDtypeStruct((G, C), jnp.float32),
        scratch_shapes=[
            pltpu.VMEM((G, H), jnp.float32),
            pltpu.VMEM((1, G), jnp.float32),
        ],
    )(h, batch2d, lw1, lb1.reshape(1, H), g4.reshape(1, H), be4.reshape(1, H),
      lw2, lb2.reshape(1, C))



def kernel(x, edge_index, batch, W1, b1, g1, be1, W2, b2, g2, be2,
           W3, b3, g3, be3, lw1, lb1, g4, be4, lw2, lb2):
    row = edge_index[0]
    col = edge_index[1]
    pad = E_PAD - E
    row3 = jnp.concatenate([row, jnp.zeros((pad,), jnp.int32)]).reshape(NW, CPT, K)
    col3 = jnp.concatenate([col, jnp.full((pad,), DUMP, jnp.int32)]).reshape(NW, CPT, K)
    x_p = jnp.concatenate([x, jnp.zeros((NP - N, x.shape[1]), x.dtype)])
    batch2d = jnp.concatenate([batch, jnp.full((NP - N,), G, batch.dtype)])
    batch2d = batch2d.reshape(NP, 1)
    zrows = jnp.zeros((ZB, H), jnp.float32)

    degs = _sc_degree(col3)
    dinv = _tc_dinv(degs)

    h = x_p
    for W, b, g, be in ((W1, b1, g1, be1), (W2, b2, g2, be2), (W3, b3, g3, be3)):
        xs = _tc_matmul_scale(h, W, dinv)
        p = _sc_aggregate(xs, row3, col3, zrows)
        h = _tc_combine(p, xs, dinv, b, g, be)

    return _tc_pool_head(h, batch2d, lw1, lb1, g4, be4, lw2, lb2)

# --- scband reference (transcript-rebuilt; emitter-appended) ---
"""Pipeline reference for scband-gcn-29781303231101 (READ-ONLY COPY).

The authoritative reference and input builder live on the scoring server;
editing this copy changes nothing except your own understanding.
"""

import jax, jax.numpy as jnp
import numpy as np

N = 10000
E = 320000
F_IN = 128
H = 128
C = 10
G = 64
EPS = 1e-5


def _gcn_conv(x, edge_index, W, b):
    # PyG GCNConv: x' = D^{-1/2} (A + I) D^{-1/2} X W + b
    x = x @ W
    row = edge_index[0]
    col = edge_index[1]
    loop = jnp.arange(N, dtype=row.dtype)
    row = jnp.concatenate([row, loop])
    col = jnp.concatenate([col, loop])
    ew = jnp.ones(row.shape[0], dtype=x.dtype)
    deg = jnp.zeros((N,), dtype=x.dtype).at[col].add(ew)
    dinv = jnp.where(deg > 0, deg ** -0.5, 0.0)
    norm = dinv[row] * dinv[col]
    out = jnp.zeros_like(x).at[col].add(norm[:, None] * x[row])
    return out + b


def _bn_eval(x, gamma, beta):
    # BatchNorm in eval mode: running_mean=0, running_var=1
    return gamma * (x / jnp.sqrt(1.0 + EPS)) + beta


def setup_inputs(seed: int = 0):
    key = jax.random.key(seed)
    ks = jax.random.split(key, 12)
    s = 0.05
    inp = {}
    inp['x'] = jax.random.normal(ks[0], (N, F_IN), dtype=jnp.float32)
    inp['edge_index'] = jax.random.randint(ks[1], (2, E), 0, N, dtype=jnp.int32)
    inp['batch'] = jnp.sort(jax.random.randint(ks[2], (N,), 0, G, dtype=jnp.int32))
    inp['W1'] = jax.random.normal(ks[3], (F_IN, H), dtype=jnp.float32) * s
    inp['b1'] = jnp.zeros((H,), jnp.float32)
    inp['g1'] = jnp.ones((H,), jnp.float32)
    inp['be1'] = jnp.zeros((H,), jnp.float32)
    inp['W2'] = jax.random.normal(ks[4], (H, H), dtype=jnp.float32) * s
    inp['b2'] = jnp.zeros((H,), jnp.float32)
    inp['g2'] = jnp.ones((H,), jnp.float32)
    inp['be2'] = jnp.zeros((H,), jnp.float32)
    inp['W3'] = jax.random.normal(ks[5], (H, H), dtype=jnp.float32) * s
    inp['b3'] = jnp.zeros((H,), jnp.float32)
    inp['g3'] = jnp.ones((H,), jnp.float32)
    inp['be3'] = jnp.zeros((H,), jnp.float32)
    inp['lw1'] = jax.random.normal(ks[6], (H, H), dtype=jnp.float32) * s
    inp['lb1'] = jnp.zeros((H,), jnp.float32)
    inp['g4'] = jnp.ones((H,), jnp.float32)
    inp['be4'] = jnp.zeros((H,), jnp.float32)
    inp['lw2'] = jax.random.normal(ks[7], (H, C), dtype=jnp.float32) * s
    inp['lb2'] = jnp.zeros((C,), jnp.float32)
    return inp


def reference(x, edge_index, batch, W1, b1, g1, be1, W2, b2, g2, be2, W3, b3, g3, be3, lw1, lb1, g4, be4, lw2, lb2):
    h = jax.nn.relu(_bn_eval(_gcn_conv(x, edge_index, W1, b1), g1, be1))
    h = jax.nn.relu(_bn_eval(_gcn_conv(h, edge_index, W2, b2), g2, be2))
    h = jax.nn.relu(_bn_eval(_gcn_conv(h, edge_index, W3, b3), g3, be3))
    # global_mean_pool over graph assignment vector
    ones = jnp.ones((N,), dtype=h.dtype)
    cnt = jax.ops.segment_sum(ones, batch, num_segments=G)
    sums = jax.ops.segment_sum(h, batch, num_segments=G)
    p = sums / jnp.clip(cnt, 1.0, None)[:, None]
    p = jax.nn.relu(_bn_eval(p @ lw1 + lb1, g4, be4))
    # dropout is identity in eval mode
    return p @ lw2 + lb2

if __name__ == "__main__":
    import jax
    _d = setup_inputs()
    print(jax.jit(kernel)(*tuple(_d.values())))

</pallas_src>

<mosaic_0001>
#map = affine_map<(d0, d1) -> (0, 0, 0)>
#map1 = affine_map<(d0, d1) -> (0, 0)>
module attributes {stable_mosaic.version = 14 : i64} {
  func.func @_sc_degree(%arg0: i32, %arg1: i32, %arg2: memref<32x79x128xi32, #tpu.memory_space<hbm>>, %arg3: memref<32x10240xf32, #tpu.memory_space<hbm>>, %arg4: memref<128xi32, #tpu.memory_space<vmem>>, %arg5: memref<10240xf32, #tpu.memory_space<vmem>>) attributes {dimension_semantics = [#tpu.dimension_semantics<core_parallel>, #tpu.dimension_semantics<subcore_parallel>], iteration_bounds = array<i64: 2, 16>, scalar_prefetch = 0 : i64, scratch_operands = 2 : i64, tpu.core_type = #tpu.core_type<sc_vector_subcore>, window_params = [{transform_indices = #map}, {transform_indices = #map1}]} {
    %mul3A = arith.constant 16 : i32
    %mul3A_0 = arith.muli %arg0, %mul3A : i32
    %add3A = arith.addi %mul3A_0, %arg1 : i32
    %scan3A = arith.constant 0 : i32
    %scan3A_1 = arith.constant 640 : i32
    %scan3A_2 = arith.addi %scan3A, %scan3A_1 : i32
    %scan3A_3 = arith.constant 1 : i32
    scf.for %scan3A_11 = %scan3A to %scan3A_2 step %scan3A_3  : i32 {
      %mul3A_12 = arith.constant 16 : i32
      %mul3A_13 = arith.muli %scan3A_11, %mul3A_12 : i32
      %add3A_14 = arith.constant 0 : i32
      %add3A_15 = arith.addi %add3A_14, %mul3A_13 : i32
      %broadcast_in_dim3A_16 = arith.constant 0.000000e+00 : f32
      %broadcast_in_dim3A_17 = vector.broadcast %broadcast_in_dim3A_16 : f32 to vector<16xf32>
      %swap3A = arith.index_cast %add3A_15 : i32 to index
      %swap3A_18 = tpu.vector_load %arg5[%swap3A] {strides = array<i32>} : memref<10240xf32, #tpu.memory_space<vmem>>, vector<16xf32>,
      tpu.vector_store %arg5[%swap3A], %broadcast_in_dim3A_17 {strides = array<i32>} : memref<10240xf32, #tpu.memory_space<vmem>>, vector<16xf32>,
    }
    %scan3A_4 = arith.constant 640 : i32
    %broadcast_in_dim3A = arith.constant 1.000000e+00 : f32
    %broadcast_in_dim3A_5 = vector.broadcast %broadcast_in_dim3A : f32 to vector<16xf32>
    %scan3A_6 = arith.constant 0 : i32
    %scan3A_7 = arith.constant 79 : i32
    %scan3A_8 = arith.addi %scan3A_6, %scan3A_7 : i32
    %scan3A_9 = arith.constant 1 : i32
    scf.for %scan3A_11 = %scan3A_6 to %scan3A_8 step %scan3A_9  : i32 {
      %mul3A_12 = arith.constant 1 : i32
      %mul3A_13 = arith.muli %scan3A_11, %mul3A_12 : i32
      %add3A_14 = arith.constant 0 : i32
      %add3A_15 = arith.addi %add3A_14, %mul3A_13 : i32
      "tpu.region"() ({
        %run_scoped3A = tpu.sem_alloc : memref<!tpu.dma_semaphore, #tpu.memory_space<semaphore_mem>>
        %dma_start3A = arith.constant 0 : i32
        %dma_start3A_21 = tpu.memref_slice %arg2[%add3A, %add3A_15, %dma_start3A] : memref<32x79x128xi32, #tpu.memory_space<hbm>> -> memref<1x1x128xi32, #tpu.memory_space<hbm>>
        %dma_start3A_22 = tpu.memref_squeeze %dma_start3A_21 : memref<1x1x128xi32, #tpu.memory_space<hbm>> -> memref<128xi32, #tpu.memory_space<hbm>>
        %dma_start3A_23 = arith.constant 0 : i32
        %dma_start3A_24 = tpu.memref_slice %arg2[%add3A, %add3A_15, %dma_start3A_23] : memref<32x79x128xi32, #tpu.memory_space<hbm>> -> memref<1x1x128xi32, #tpu.memory_space<hbm>>
        %dma_start3A_25 = tpu.memref_squeeze %dma_start3A_24 : memref<1x1x128xi32, #tpu.memory_space<hbm>> -> memref<128xi32, #tpu.memory_space<hbm>>
        tpu.enqueue_dma source(%dma_start3A_25 : memref<128xi32, #tpu.memory_space<hbm>>) target(%arg4 : memref<128xi32, #tpu.memory_space<vmem>>) target_semaphore(%run_scoped3A : memref<!tpu.dma_semaphore, #tpu.memory_space<semaphore_mem>>)
        %dma_wait3A = arith.constant 0 : i32
        %dma_wait3A_26 = tpu.memref_slice %arg2[%add3A, %add3A_15, %dma_wait3A] : memref<32x79x128xi32, #tpu.memory_space<hbm>> -> memref<1x1x128xi32, #tpu.memory_space<hbm>>
        %dma_wait3A_27 = tpu.memref_squeeze %dma_wait3A_26 : memref<1x1x128xi32, #tpu.memory_space<hbm>> -> memref<128xi32, #tpu.memory_space<hbm>>
        %dma_wait3A_28 = arith.constant 0 : i32
        %dma_wait3A_29 = tpu.memref_slice %arg2[%add3A, %add3A_15, %dma_wait3A_28] : memref<32x79x128xi32, #tpu.memory_space<hbm>> -> memref<1x1x128xi32, #tpu.memory_space<hbm>>
        %dma_wait3A_30 = tpu.memref_squeeze %dma_wait3A_29 : memref<1x1x128xi32, #tpu.memory_space<hbm>> -> memref<128xi32, #tpu.memory_space<hbm>>
        tpu.wait_dma2 semaphore(%run_scoped3A : memref<!tpu.dma_semaphore, #tpu.memory_space<semaphore_mem>>) src(%dma_wait3A_30 : memref<128xi32, #tpu.memory_space<hbm>>) dst(%arg4 : memref<128xi32, #tpu.memory_space<vmem>>)
        tpu.yield
      }) : () -> ()
      %scan3A_16 = arith.constant 0 : i32
      %scan3A_17 = arith.constant 8 : i32
      %scan3A_18 = arith.addi %scan3A_16, %scan3A_17 : i32
      %scan3A_19 = arith.constant 1 : i32
      scf.for %scan3A_21 = %scan3A_16 to %scan3A_18 step %scan3A_19  : i32 {
        %mul3A_22 = arith.constant 16 : i32
        %mul3A_23 = arith.muli %scan3A_21, %mul3A_22 : i32
        %add3A_24 = arith.constant 0 : i32
        %add3A_25 = arith.addi %add3A_24, %mul3A_23 : i32
        %get3A = arith.index_cast %add3A_25 : i32 to index
        %get3A_26 = tpu.vector_load %arg4[%get3A] {strides = array<i32>} : memref<128xi32, #tpu.memory_space<vmem>>, vector<16xi32>,
        tpu.vector_store_idx %arg5[%get3A_26], %broadcast_in_dim3A_5 {add = true} : memref<10240xf32, #tpu.memory_space<vmem>>[vector<16xi32>], vector<16xf32>,
      }
      %scan3A_20 = arith.constant 8 : i32
    }
    %scan3A_10 = arith.constant 79 : i32
    "tpu.region"() ({
      %run_scoped3A = tpu.sem_alloc : memref<!tpu.dma_semaphore, #tpu.memory_space<semaphore_mem>>
      %dma_start3A = arith.constant 0 : i32
      %dma_start3A_11 = tpu.memref_slice %arg3[%add3A, %dma_start3A] : memref<32x10240xf32, #tpu.memory_space<hbm>> -> memref<1x10240xf32, #tpu.memory_space<hbm>>
      %dma_start3A_12 = tpu.memref_squeeze %dma_start3A_11 : memref<1x10240xf32, #tpu.memory_space<hbm>> -> memref<10240xf32, #tpu.memory_space<hbm>>
      %dma_start3A_13 = arith.constant 0 : i32
      %dma_start3A_14 = tpu.memref_slice %arg3[%add3A, %dma_start3A_13] : memref<32x10240xf32, #tpu.memory_space<hbm>> -> memref<1x10240xf32, #tpu.memory_space<hbm>>
      %dma_start3A_15 = tpu.memref_squeeze %dma_start3A_14 : memref<1x10240xf32, #tpu.memory_space<hbm>> -> memref<10240xf32, #tpu.memory_space<hbm>>
      tpu.enqueue_dma source(%arg5 : memref<10240xf32, #tpu.memory_space<vmem>>) target(%dma_start3A_15 : memref<10240xf32, #tpu.memory_space<hbm>>) target_semaphore(%run_scoped3A : memref<!tpu.dma_semaphore, #tpu.memory_space<semaphore_mem>>)
      %dma_wait3A = arith.constant 0 : i32
      %dma_wait3A_16 = tpu.memref_slice %arg3[%add3A, %dma_wait3A] : memref<32x10240xf32, #tpu.memory_space<hbm>> -> memref<1x10240xf32, #tpu.memory_space<hbm>>
      %dma_wait3A_17 = tpu.memref_squeeze %dma_wait3A_16 : memref<1x10240xf32, #tpu.memory_space<hbm>> -> memref<10240xf32, #tpu.memory_space<hbm>>
      %dma_wait3A_18 = arith.constant 0 : i32
      %dma_wait3A_19 = tpu.memref_slice %arg3[%add3A, %dma_wait3A_18] : memref<32x10240xf32, #tpu.memory_space<hbm>> -> memref<1x10240xf32, #tpu.memory_space<hbm>>
      %dma_wait3A_20 = tpu.memref_squeeze %dma_wait3A_19 : memref<1x10240xf32, #tpu.memory_space<hbm>> -> memref<10240xf32, #tpu.memory_space<hbm>>
      tpu.wait_dma2 semaphore(%run_scoped3A : memref<!tpu.dma_semaphore, #tpu.memory_space<semaphore_mem>>) src(%arg5 : memref<10240xf32, #tpu.memory_space<vmem>>) dst(%dma_wait3A_20 : memref<10240xf32, #tpu.memory_space<hbm>>)
      tpu.yield
    }) : () -> ()
    return
  }
}

#map = affine_map<(d0, d1) -> (0, 0)>
#map1 = affine_map<(d0, d1) -> (0, 0, 0)>
module attributes {stable_mosaic.version = 14 : i64} {
  func.func @_sc_aggregate(%arg0: i32, %arg1: i32, %arg2: memref<10240x128xf32, #tpu.memory_space<hbm>>, %arg3: memref<32x79x128xi32, #tpu.memory_space<hbm>>, %arg4: memref<32x79x128xi32, #tpu.memory_space<hbm>>, %arg5: memref<128x128xf32, #tpu.memory_space<hbm>>, %arg6: memref<20480x128xf32, #tpu.memory_space<hbm>>, %arg7: memref<128xi32, #tpu.memory_space<vmem>>, %arg8: memref<128xi32, #tpu.memory_space<vmem>>, %arg9: memref<128x128xf32, #tpu.memory_space<vmem>>, %arg10: memref<128x128xf32, #tpu.memory_space<vmem>>, %arg11: memref<10240x128xf32, #tpu.memory_space<vmem_shared>>, %arg12: memref<!tpu.dma_semaphore, #tpu.memory_space<semaphore_mem>>) attributes {dimension_semantics = [#tpu.dimension_semantics<core_parallel>, #tpu.dimension_semantics<subcore_parallel>], iteration_bounds = array<i64: 2, 16>, scalar_prefetch = 0 : i64, scratch_operands = 6 : i64, tpu.core_type = #tpu.core_type<sc_vector_subcore>, window_params = [{transform_indices = #map}, {transform_indices = #map1}, {transform_indices = #map1}, {transform_indices = #map}, {transform_indices = #map}]} {
    %mul3A = arith.constant 16 : i32
    %mul3A_0 = arith.muli %arg0, %mul3A : i32
    %add3A = arith.addi %mul3A_0, %arg1 : i32
    "tpu.region"() ({
      %run_scoped3A = tpu.sem_alloc : memref<!tpu.dma_semaphore, #tpu.memory_space<semaphore_mem>>
      tpu.enqueue_dma source(%arg5 : memref<128x128xf32, #tpu.memory_space<hbm>>) target(%arg10 : memref<128x128xf32, #tpu.memory_space<vmem>>) target_semaphore(%run_scoped3A : memref<!tpu.dma_semaphore, #tpu.memory_space<semaphore_mem>>)
      tpu.wait_dma2 semaphore(%run_scoped3A : memref<!tpu.dma_semaphore, #tpu.memory_space<semaphore_mem>>) src(%arg5 : memref<128x128xf32, #tpu.memory_space<hbm>>) dst(%arg10 : memref<128x128xf32, #tpu.memory_space<vmem>>)
      tpu.yield
    }) : () -> ()
    %scan3A = arith.constant 0 : i32
    %scan3A_1 = arith.constant 5 : i32
    %scan3A_2 = arith.addi %scan3A, %scan3A_1 : i32
    %scan3A_3 = arith.constant 1 : i32
    scf.for %scan3A_16 = %scan3A to %scan3A_2 step %scan3A_3  : i32 {
      %mul3A_17 = arith.constant 128 : i32
      %mul3A_18 = arith.muli %scan3A_16, %mul3A_17 : i32
      %add3A_19 = arith.constant 0 : i32
      %add3A_20 = arith.addi %add3A_19, %mul3A_18 : i32
      %mul3A_21 = arith.constant 640 : i32
      %mul3A_22 = arith.muli %arg1, %mul3A_21 : i32
      %add3A_23 = arith.addi %mul3A_22, %add3A_20 : i32
      "tpu.region"() ({
        %run_scoped3A = tpu.sem_alloc : memref<!tpu.dma_semaphore, #tpu.memory_space<semaphore_mem>>
        %dma_start3A = arith.constant 0 : i32
        %dma_start3A_24 = tpu.memref_slice %arg11[%add3A_23, %dma_start3A] : memref<10240x128xf32, #tpu.memory_space<vmem_shared>> -> memref<128x128xf32, #tpu.memory_space<vmem_shared>>
        %dma_start3A_25 = arith.constant 0 : i32
        %dma_start3A_26 = tpu.memref_slice %arg11[%add3A_23, %dma_start3A_25] : memref<10240x128xf32, #tpu.memory_space<vmem_shared>> -> memref<128x128xf32, #tpu.memory_space<vmem_shared>>
        tpu.enqueue_dma source(%arg10 : memref<128x128xf32, #tpu.memory_space<vmem>>) target(%dma_start3A_26 : memref<128x128xf32, #tpu.memory_space<vmem_shared>>) target_semaphore(%run_scoped3A : memref<!tpu.dma_semaphore, #tpu.memory_space<semaphore_mem>>)
        %dma_wait3A = arith.constant 0 : i32
        %dma_wait3A_27 = tpu.memref_slice %arg11[%add3A_23, %dma_wait3A] : memref<10240x128xf32, #tpu.memory_space<vmem_shared>> -> memref<128x128xf32, #tpu.memory_space<vmem_shared>>
        %dma_wait3A_28 = arith.constant 0 : i32
        %dma_wait3A_29 = tpu.memref_slice %arg11[%add3A_23, %dma_wait3A_28] : memref<10240x128xf32, #tpu.memory_space<vmem_shared>> -> memref<128x128xf32, #tpu.memory_space<vmem_shared>>
        tpu.wait_dma2 semaphore(%run_scoped3A : memref<!tpu.dma_semaphore, #tpu.memory_space<semaphore_mem>>) src(%arg10 : memref<128x128xf32, #tpu.memory_space<vmem>>) dst(%dma_wait3A_29 : memref<128x128xf32, #tpu.memory_space<vmem_shared>>)
        tpu.yield
      }) : () -> ()
    }
    %scan3A_4 = arith.constant 5 : i32
    %barrier3A = arith.constant 0 : index
    tpu.barrier barrier_id(%barrier3A)
    %scan3A_5 = arith.constant 0 : i32
    %scan3A_6 = arith.constant 79 : i32
    %scan3A_7 = arith.addi %scan3A_5, %scan3A_6 : i32
    %scan3A_8 = arith.constant 1 : i32
    scf.for %scan3A_16 = %scan3A_5 to %scan3A_7 step %scan3A_8  : i32 {
      %mul3A_17 = arith.constant 1 : i32
      %mul3A_18 = arith.muli %scan3A_16, %mul3A_17 : i32
      %add3A_19 = arith.constant 0 : i32
      %add3A_20 = arith.addi %add3A_19, %mul3A_18 : i32
      "tpu.region"() ({
        %run_scoped3A = tpu.sem_alloc : memref<!tpu.dma_semaphore, #tpu.memory_space<semaphore_mem>>
        %dma_start3A_25 = arith.constant 0 : i32
        %dma_start3A_26 = tpu.memref_slice %arg3[%add3A, %add3A_20, %dma_start3A_25] : memref<32x79x128xi32, #tpu.memory_space<hbm>> -> memref<1x1x128xi32, #tpu.memory_space<hbm>>
        %dma_start3A_27 = tpu.memref_squeeze %dma_start3A_26 : memref<1x1x128xi32, #tpu.memory_space<hbm>> -> memref<128xi32, #tpu.memory_space<hbm>>
        %dma_start3A_28 = arith.constant 0 : i32
        %dma_start3A_29 = tpu.memref_slice %arg3[%add3A, %add3A_20, %dma_start3A_28] : memref<32x79x128xi32, #tpu.memory_space<hbm>> -> memref<1x1x128xi32, #tpu.memory_space<hbm>>
        %dma_start3A_30 = tpu.memref_squeeze %dma_start3A_29 : memref<1x1x128xi32, #tpu.memory_space<hbm>> -> memref<128xi32, #tpu.memory_space<hbm>>
        tpu.enqueue_dma source(%dma_start3A_30 : memref<128xi32, #tpu.memory_space<hbm>>) target(%arg7 : memref<128xi32, #tpu.memory_space<vmem>>) target_semaphore(%run_scoped3A : memref<!tpu.dma_semaphore, #tpu.memory_space<semaphore_mem>>)
        %dma_wait3A_31 = arith.constant 0 : i32
        %dma_wait3A_32 = tpu.memref_slice %arg3[%add3A, %add3A_20, %dma_wait3A_31] : memref<32x79x128xi32, #tpu.memory_space<hbm>> -> memref<1x1x128xi32, #tpu.memory_space<hbm>>
        %dma_wait3A_33 = tpu.memref_squeeze %dma_wait3A_32 : memref<1x1x128xi32, #tpu.memory_space<hbm>> -> memref<128xi32, #tpu.memory_space<hbm>>
        %dma_wait3A_34 = arith.constant 0 : i32
        %dma_wait3A_35 = tpu.memref_slice %arg3[%add3A, %add3A_20, %dma_wait3A_34] : memref<32x79x128xi32, #tpu.memory_space<hbm>> -> memref<1x1x128xi32, #tpu.memory_space<hbm>>
        %dma_wait3A_36 = tpu.memref_squeeze %dma_wait3A_35 : memref<1x1x128xi32, #tpu.memory_space<hbm>> -> memref<128xi32, #tpu.memory_space<hbm>>
        tpu.wait_dma2 semaphore(%run_scoped3A : memref<!tpu.dma_semaphore, #tpu.memory_space<semaphore_mem>>) src(%dma_wait3A_36 : memref<128xi32, #tpu.memory_space<hbm>>) dst(%arg7 : memref<128xi32, #tpu.memory_space<vmem>>)
        tpu.yield
      }) : () -> ()
      "tpu.region"() ({
        %run_scoped3A = tpu.sem_alloc : memref<!tpu.dma_semaphore, #tpu.memory_space<semaphore_mem>>
        %dma_start3A_25 = arith.constant 0 : i32
        %dma_start3A_26 = tpu.memref_slice %arg4[%add3A, %add3A_20, %dma_start3A_25] : memref<32x79x128xi32, #tpu.memory_space<hbm>> -> memref<1x1x128xi32, #tpu.memory_space<hbm>>
        %dma_start3A_27 = tpu.memref_squeeze %dma_start3A_26 : memref<1x1x128xi32, #tpu.memory_space<hbm>> -> memref<128xi32, #tpu.memory_space<hbm>>
        %dma_start3A_28 = arith.constant 0 : i32
        %dma_start3A_29 = tpu.memref_slice %arg4[%add3A, %add3A_20, %dma_start3A_28] : memref<32x79x128xi32, #tpu.memory_space<hbm>> -> memref<1x1x128xi32, #tpu.memory_space<hbm>>
        %dma_start3A_30 = tpu.memref_squeeze %dma_start3A_29 : memref<1x1x128xi32, #tpu.memory_space<hbm>> -> memref<128xi32, #tpu.memory_space<hbm>>
        tpu.enqueue_dma source(%dma_start3A_30 : memref<128xi32, #tpu.memory_space<hbm>>) target(%arg8 : memref<128xi32, #tpu.memory_space<vmem>>) target_semaphore(%run_scoped3A : memref<!tpu.dma_semaphore, #tpu.memory_space<semaphore_mem>>)
        %dma_wait3A_31 = arith.constant 0 : i32
        %dma_wait3A_32 = tpu.memref_slice %arg4[%add3A, %add3A_20, %dma_wait3A_31] : memref<32x79x128xi32, #tpu.memory_space<hbm>> -> memref<1x1x128xi32, #tpu.memory_space<hbm>>
        %dma_wait3A_33 = tpu.memref_squeeze %dma_wait3A_32 : memref<1x1x128xi32, #tpu.memory_space<hbm>> -> memref<128xi32, #tpu.memory_space<hbm>>
        %dma_wait3A_34 = arith.constant 0 : i32
        %dma_wait3A_35 = tpu.memref_slice %arg4[%add3A, %add3A_20, %dma_wait3A_34] : memref<32x79x128xi32, #tpu.memory_space<hbm>> -> memref<1x1x128xi32, #tpu.memory_space<hbm>>
        %dma_wait3A_36 = tpu.memref_squeeze %dma_wait3A_35 : memref<1x1x128xi32, #tpu.memory_space<hbm>> -> memref<128xi32, #tpu.memory_space<hbm>>
        tpu.wait_dma2 semaphore(%run_scoped3A : memref<!tpu.dma_semaphore, #tpu.memory_space<semaphore_mem>>) src(%dma_wait3A_36 : memref<128xi32, #tpu.memory_space<hbm>>) dst(%arg8 : memref<128xi32, #tpu.memory_space<vmem>>)
        tpu.yield
      }) : () -> ()
      %dma_start3A = arith.constant 0 : i32
      %dma_start3A_21 = arith.constant 0 : i32
      %dma_start3A_22 = tpu.memref_slice %arg2[%dma_start3A, %dma_start3A_21] : memref<10240x128xf32, #tpu.memory_space<hbm>> -> memref<10240x128xf32, #tpu.memory_space<hbm>>
      tpu.enqueue_indirect_dma source(%dma_start3A_22 : memref<10240x128xf32, #tpu.memory_space<hbm>>) target(%arg9 : memref<128x128xf32, #tpu.memory_space<vmem>>) offsets(%arg7 : memref<128xi32, #tpu.memory_space<vmem>>) semaphore(%arg12 : memref<!tpu.dma_semaphore, #tpu.memory_space<semaphore_mem>>)
      %dma_wait3A = arith.constant 0 : i32
      %dma_wait3A_23 = arith.constant 0 : i32
      %dma_wait3A_24 = tpu.memref_slice %arg2[%dma_wait3A, %dma_wait3A_23] : memref<10240x128xf32, #tpu.memory_space<hbm>> -> memref<10240x128xf32, #tpu.memory_space<hbm>>
      tpu.wait_indirect_dma semaphore(%arg12 : memref<!tpu.dma_semaphore, #tpu.memory_space<semaphore_mem>>) src(%dma_wait3A_24 : memref<10240x128xf32, #tpu.memory_space<hbm>>) dst(%arg9 : memref<128x128xf32, #tpu.memory_space<vmem>>)
      "tpu.region"() ({
        %run_scoped3A = tpu.sem_alloc : memref<!tpu.dma_semaphore, #tpu.memory_space<semaphore_mem>>
        %dma_start3A_25 = arith.constant 0 : i32
        %dma_start3A_26 = arith.constant 0 : i32
        %dma_start3A_27 = tpu.memref_slice %arg11[%dma_start3A_25, %dma_start3A_26] : memref<10240x128xf32, #tpu.memory_space<vmem_shared>> -> memref<10240x128xf32, #tpu.memory_space<vmem_shared>>
        tpu.enqueue_indirect_dma source(%arg9 : memref<128x128xf32, #tpu.memory_space<vmem>>) target(%dma_start3A_27 : memref<10240x128xf32, #tpu.memory_space<vmem_shared>>) offsets(%arg8 : memref<128xi32, #tpu.memory_space<vmem>>) semaphore(%run_scoped3A : memref<!tpu.dma_semaphore, #tpu.memory_space<semaphore_mem>>) {add = true}
        %dma_wait3A_28 = arith.constant 0 : i32
        %dma_wait3A_29 = arith.constant 0 : i32
        %dma_wait3A_30 = tpu.memref_slice %arg11[%dma_wait3A_28, %dma_wait3A_29] : memref<10240x128xf32, #tpu.memory_space<vmem_shared>> -> memref<10240x128xf32, #tpu.memory_space<vmem_shared>>
        tpu.wait_indirect_dma semaphore(%run_scoped3A : memref<!tpu.dma_semaphore, #tpu.memory_space<semaphore_mem>>) src(%arg9 : memref<128x128xf32, #tpu.memory_space<vmem>>) dst(%dma_wait3A_30 : memref<10240x128xf32, #tpu.memory_space<vmem_shared>>)
        tpu.yield
      }) : () -> ()
    }
    %scan3A_9 = arith.constant 79 : i32
    %barrier3A_10 = arith.constant 0 : index
    tpu.barrier barrier_id(%barrier3A_10)
    %scan3A_11 = arith.constant 0 : i32
    %scan3A_12 = arith.constant 5 : i32
    %scan3A_13 = arith.addi %scan3A_11, %scan3A_12 : i32
    %scan3A_14 = arith.constant 1 : i32
    scf.for %scan3A_16 = %scan3A_11 to %scan3A_13 step %scan3A_14  : i32 {
      %mul3A_17 = arith.constant 128 : i32
      %mul3A_18 = arith.muli %scan3A_16, %mul3A_17 : i32
      %add3A_19 = arith.constant 0 : i32
      %add3A_20 = arith.addi %add3A_19, %mul3A_18 : i32
      %mul3A_21 = arith.constant 640 : i32
      %mul3A_22 = arith.muli %arg1, %mul3A_21 : i32
      %add3A_23 = arith.addi %mul3A_22, %add3A_20 : i32
      "tpu.region"() ({
        %run_scoped3A = tpu.sem_alloc : memref<!tpu.dma_semaphore, #tpu.memory_space<semaphore_mem>>
        %dma_start3A = arith.constant 0 : i32
        %dma_start3A_30 = tpu.memref_slice %arg11[%add3A_23, %dma_start3A] : memref<10240x128xf32, #tpu.memory_space<vmem_shared>> -> memref<128x128xf32, #tpu.memory_space<vmem_shared>>
        %dma_start3A_31 = arith.constant 0 : i32
        %dma_start3A_32 = tpu.memref_slice %arg11[%add3A_23, %dma_start3A_31] : memref<10240x128xf32, #tpu.memory_space<vmem_shared>> -> memref<128x128xf32, #tpu.memory_space<vmem_shared>>
        tpu.enqueue_dma source(%dma_start3A_32 : memref<128x128xf32, #tpu.memory_space<vmem_shared>>) target(%arg10 : memref<128x128xf32, #tpu.memory_space<vmem>>) target_semaphore(%run_scoped3A : memref<!tpu.dma_semaphore, #tpu.memory_space<semaphore_mem>>)
        %dma_wait3A = arith.constant 0 : i32
        %dma_wait3A_33 = tpu.memref_slice %arg11[%add3A_23, %dma_wait3A] : memref<10240x128xf32, #tpu.memory_space<vmem_shared>> -> memref<128x128xf32, #tpu.memory_space<vmem_shared>>
        %dma_wait3A_34 = arith.constant 0 : i32
        %dma_wait3A_35 = tpu.memref_slice %arg11[%add3A_23, %dma_wait3A_34] : memref<10240x128xf32, #tpu.memory_space<vmem_shared>> -> memref<128x128xf32, #tpu.memory_space<vmem_shared>>
        tpu.wait_dma2 semaphore(%run_scoped3A : memref<!tpu.dma_semaphore, #tpu.memory_space<semaphore_mem>>) src(%dma_wait3A_35 : memref<128x128xf32, #tpu.memory_space<vmem_shared>>) dst(%arg10 : memref<128x128xf32, #tpu.memory_space<vmem>>)
        tpu.yield
      }) : () -> ()
      %mul3A_24 = arith.constant 10240 : i32
      %mul3A_25 = arith.muli %arg0, %mul3A_24 : i32
      %mul3A_26 = arith.constant 640 : i32
      %mul3A_27 = arith.muli %arg1, %mul3A_26 : i32
      %add3A_28 = arith.addi %mul3A_25, %mul3A_27 : i32
      %add3A_29 = arith.addi %add3A_28, %add3A_20 : i32
      "tpu.region"() ({
        %run_scoped3A = tpu.sem_alloc : memref<!tpu.dma_semaphore, #tpu.memory_space<semaphore_mem>>
        %dma_start3A = arith.constant 0 : i32
        %dma_start3A_30 = tpu.memref_slice %arg6[%add3A_29, %dma_start3A] : memref<20480x128xf32, #tpu.memory_space<hbm>> -> memref<128x128xf32, #tpu.memory_space<hbm>>
        %dma_start3A_31 = arith.constant 0 : i32
        %dma_start3A_32 = tpu.memref_slice %arg6[%add3A_29, %dma_start3A_31] : memref<20480x128xf32, #tpu.memory_space<hbm>> -> memref<128x128xf32, #tpu.memory_space<hbm>>
        tpu.enqueue_dma source(%arg10 : memref<128x128xf32, #tpu.memory_space<vmem>>) target(%dma_start3A_32 : memref<128x128xf32, #tpu.memory_space<hbm>>) target_semaphore(%run_scoped3A : memref<!tpu.dma_semaphore, #tpu.memory_space<semaphore_mem>>)
        %dma_wait3A = arith.constant 0 : i32
        %dma_wait3A_33 = tpu.memref_slice %arg6[%add3A_29, %dma_wait3A] : memref<20480x128xf32, #tpu.memory_space<hbm>> -> memref<128x128xf32, #tpu.memory_space<hbm>>
        %dma_wait3A_34 = arith.constant 0 : i32
        %dma_wait3A_35 = tpu.memref_slice %arg6[%add3A_29, %dma_wait3A_34] : memref<20480x128xf32, #tpu.memory_space<hbm>> -> memref<128x128xf32, #tpu.memory_space<hbm>>
        tpu.wait_dma2 semaphore(%run_scoped3A : memref<!tpu.dma_semaphore, #tpu.memory_space<semaphore_mem>>) src(%arg10 : memref<128x128xf32, #tpu.memory_space<vmem>>) dst(%dma_wait3A_35 : memref<128x128xf32, #tpu.memory_space<hbm>>)
        tpu.yield
      }) : () -> ()
    }
    %scan3A_15 = arith.constant 5 : i32
    return
  }
}

#map = affine_map<(d0, d1) -> (0, 0)>
#map1 = affine_map<(d0, d1) -> (0, 0, 0)>
module attributes {stable_mosaic.version = 14 : i64} {
  func.func @_sc_aggregate(%arg0: i32, %arg1: i32, %arg2: memref<10240x128xf32, #tpu.memory_space<hbm>>, %arg3: memref<32x79x128xi32, #tpu.memory_space<hbm>>, %arg4: memref<32x79x128xi32, #tpu.memory_space<hbm>>, %arg5: memref<128x128xf32, #tpu.memory_space<hbm>>, %arg6: memref<20480x128xf32, #tpu.memory_space<hbm>>, %arg7: memref<128xi32, #tpu.memory_space<vmem>>, %arg8: memref<128xi32, #tpu.memory_space<vmem>>, %arg9: memref<128x128xf32, #tpu.memory_space<vmem>>, %arg10: memref<128x128xf32, #tpu.memory_space<vmem>>, %arg11: memref<10240x128xf32, #tpu.memory_space<vmem_shared>>, %arg12: memref<!tpu.dma_semaphore, #tpu.memory_space<semaphore_mem>>) attributes {dimension_semantics = [#tpu.dimension_semantics<core_parallel>, #tpu.dimension_semantics<subcore_parallel>], iteration_bounds = array<i64: 2, 16>, scalar_prefetch = 0 : i64, scratch_operands = 6 : i64, tpu.core_type = #tpu.core_type<sc_vector_subcore>, window_params = [{transform_indices = #map}, {transform_indices = #map1}, {transform_indices = #map1}, {transform_indices = #map}, {transform_indices = #map}]} {
    %mul3A = arith.constant 16 : i32
    %mul3A_0 = arith.muli %arg0, %mul3A : i32
    %add3A = arith.addi %mul3A_0, %arg1 : i32
    "tpu.region"() ({
      %run_scoped3A = tpu.sem_alloc : memref<!tpu.dma_semaphore, #tpu.memory_space<semaphore_mem>>
      tpu.enqueue_dma source(%arg5 : memref<128x128xf32, #tpu.memory_space<hbm>>) target(%arg10 : memref<128x128xf32, #tpu.memory_space<vmem>>) target_semaphore(%run_scoped3A : memref<!tpu.dma_semaphore, #tpu.memory_space<semaphore_mem>>)
      tpu.wait_dma2 semaphore(%run_scoped3A : memref<!tpu.dma_semaphore, #tpu.memory_space<semaphore_mem>>) src(%arg5 : memref<128x128xf32, #tpu.memory_space<hbm>>) dst(%arg10 : memref<128x128xf32, #tpu.memory_space<vmem>>)
      tpu.yield
    }) : () -> ()
    %scan3A = arith.constant 0 : i32
    %scan3A_1 = arith.constant 5 : i32
    %scan3A_2 = arith.addi %scan3A, %scan3A_1 : i32
    %scan3A_3 = arith.constant 1 : i32
    scf.for %scan3A_16 = %scan3A to %scan3A_2 step %scan3A_3  : i32 {
      %mul3A_17 = arith.constant 128 : i32
      %mul3A_18 = arith.muli %scan3A_16, %mul3A_17 : i32
      %add3A_19 = arith.constant 0 : i32
      %add3A_20 = arith.addi %add3A_19, %mul3A_18 : i32
      %mul3A_21 = arith.constant 640 : i32
      %mul3A_22 = arith.muli %arg1, %mul3A_21 : i32
      %add3A_23 = arith.addi %mul3A_22, %add3A_20 : i32
      "tpu.region"() ({
        %run_scoped3A = tpu.sem_alloc : memref<!tpu.dma_semaphore, #tpu.memory_space<semaphore_mem>>
        %dma_start3A = arith.constant 0 : i32
        %dma_start3A_24 = tpu.memref_slice %arg11[%add3A_23, %dma_start3A] : memref<10240x128xf32, #tpu.memory_space<vmem_shared>> -> memref<128x128xf32, #tpu.memory_space<vmem_shared>>
        %dma_start3A_25 = arith.constant 0 : i32
        %dma_start3A_26 = tpu.memref_slice %arg11[%add3A_23, %dma_start3A_25] : memref<10240x128xf32, #tpu.memory_space<vmem_shared>> -> memref<128x128xf32, #tpu.memory_space<vmem_shared>>
        tpu.enqueue_dma source(%arg10 : memref<128x128xf32, #tpu.memory_space<vmem>>) target(%dma_start3A_26 : memref<128x128xf32, #tpu.memory_space<vmem_shared>>) target_semaphore(%run_scoped3A : memref<!tpu.dma_semaphore, #tpu.memory_space<semaphore_mem>>)
        %dma_wait3A = arith.constant 0 : i32
        %dma_wait3A_27 = tpu.memref_slice %arg11[%add3A_23, %dma_wait3A] : memref<10240x128xf32, #tpu.memory_space<vmem_shared>> -> memref<128x128xf32, #tpu.memory_space<vmem_shared>>
        %dma_wait3A_28 = arith.constant 0 : i32
        %dma_wait3A_29 = tpu.memref_slice %arg11[%add3A_23, %dma_wait3A_28] : memref<10240x128xf32, #tpu.memory_space<vmem_shared>> -> memref<128x128xf32, #tpu.memory_space<vmem_shared>>
        tpu.wait_dma2 semaphore(%run_scoped3A : memref<!tpu.dma_semaphore, #tpu.memory_space<semaphore_mem>>) src(%arg10 : memref<128x128xf32, #tpu.memory_space<vmem>>) dst(%dma_wait3A_29 : memref<128x128xf32, #tpu.memory_space<vmem_shared>>)
        tpu.yield
      }) : () -> ()
    }
    %scan3A_4 = arith.constant 5 : i32
    %barrier3A = arith.constant 0 : index
    tpu.barrier barrier_id(%barrier3A)
    %scan3A_5 = arith.constant 0 : i32
    %scan3A_6 = arith.constant 79 : i32
    %scan3A_7 = arith.addi %scan3A_5, %scan3A_6 : i32
    %scan3A_8 = arith.constant 1 : i32
    scf.for %scan3A_16 = %scan3A_5 to %scan3A_7 step %scan3A_8  : i32 {
      %mul3A_17 = arith.constant 1 : i32
      %mul3A_18 = arith.muli %scan3A_16, %mul3A_17 : i32
      %add3A_19 = arith.constant 0 : i32
      %add3A_20 = arith.addi %add3A_19, %mul3A_18 : i32
      "tpu.region"() ({
        %run_scoped3A = tpu.sem_alloc : memref<!tpu.dma_semaphore, #tpu.memory_space<semaphore_mem>>
        %dma_start3A_25 = arith.constant 0 : i32
        %dma_start3A_26 = tpu.memref_slice %arg3[%add3A, %add3A_20, %dma_start3A_25] : memref<32x79x128xi32, #tpu.memory_space<hbm>> -> memref<1x1x128xi32, #tpu.memory_space<hbm>>
        %dma_start3A_27 = tpu.memref_squeeze %dma_start3A_26 : memref<1x1x128xi32, #tpu.memory_space<hbm>> -> memref<128xi32, #tpu.memory_space<hbm>>
        %dma_start3A_28 = arith.constant 0 : i32
        %dma_start3A_29 = tpu.memref_slice %arg3[%add3A, %add3A_20, %dma_start3A_28] : memref<32x79x128xi32, #tpu.memory_space<hbm>> -> memref<1x1x128xi32, #tpu.memory_space<hbm>>
        %dma_start3A_30 = tpu.memref_squeeze %dma_start3A_29 : memref<1x1x128xi32, #tpu.memory_space<hbm>> -> memref<128xi32, #tpu.memory_space<hbm>>
        tpu.enqueue_dma source(%dma_start3A_30 : memref<128xi32, #tpu.memory_space<hbm>>) target(%arg7 : memref<128xi32, #tpu.memory_space<vmem>>) target_semaphore(%run_scoped3A : memref<!tpu.dma_semaphore, #tpu.memory_space<semaphore_mem>>)
        %dma_wait3A_31 = arith.constant 0 : i32
        %dma_wait3A_32 = tpu.memref_slice %arg3[%add3A, %add3A_20, %dma_wait3A_31] : memref<32x79x128xi32, #tpu.memory_space<hbm>> -> memref<1x1x128xi32, #tpu.memory_space<hbm>>
        %dma_wait3A_33 = tpu.memref_squeeze %dma_wait3A_32 : memref<1x1x128xi32, #tpu.memory_space<hbm>> -> memref<128xi32, #tpu.memory_space<hbm>>
        %dma_wait3A_34 = arith.constant 0 : i32
        %dma_wait3A_35 = tpu.memref_slice %arg3[%add3A, %add3A_20, %dma_wait3A_34] : memref<32x79x128xi32, #tpu.memory_space<hbm>> -> memref<1x1x128xi32, #tpu.memory_space<hbm>>
        %dma_wait3A_36 = tpu.memref_squeeze %dma_wait3A_35 : memref<1x1x128xi32, #tpu.memory_space<hbm>> -> memref<128xi32, #tpu.memory_space<hbm>>
        tpu.wait_dma2 semaphore(%run_scoped3A : memref<!tpu.dma_semaphore, #tpu.memory_space<semaphore_mem>>) src(%dma_wait3A_36 : memref<128xi32, #tpu.memory_space<hbm>>) dst(%arg7 : memref<128xi32, #tpu.memory_space<vmem>>)
        tpu.yield
      }) : () -> ()
      "tpu.region"() ({
        %run_scoped3A = tpu.sem_alloc : memref<!tpu.dma_semaphore, #tpu.memory_space<semaphore_mem>>
        %dma_start3A_25 = arith.constant 0 : i32
        %dma_start3A_26 = tpu.memref_slice %arg4[%add3A, %add3A_20, %dma_start3A_25] : memref<32x79x128xi32, #tpu.memory_space<hbm>> -> memref<1x1x128xi32, #tpu.memory_space<hbm>>
        %dma_start3A_27 = tpu.memref_squeeze %dma_start3A_26 : memref<1x1x128xi32, #tpu.memory_space<hbm>> -> memref<128xi32, #tpu.memory_space<hbm>>
        %dma_start3A_28 = arith.constant 0 : i32
        %dma_start3A_29 = tpu.memref_slice %arg4[%add3A, %add3A_20, %dma_start3A_28] : memref<32x79x128xi32, #tpu.memory_space<hbm>> -> memref<1x1x128xi32, #tpu.memory_space<hbm>>
        %dma_start3A_30 = tpu.memref_squeeze %dma_start3A_29 : memref<1x1x128xi32, #tpu.memory_space<hbm>> -> memref<128xi32, #tpu.memory_space<hbm>>
        tpu.enqueue_dma source(%dma_start3A_30 : memref<128xi32, #tpu.memory_space<hbm>>) target(%arg8 : memref<128xi32, #tpu.memory_space<vmem>>) target_semaphore(%run_scoped3A : memref<!tpu.dma_semaphore, #tpu.memory_space<semaphore_mem>>)
        %dma_wait3A_31 = arith.constant 0 : i32
        %dma_wait3A_32 = tpu.memref_slice %arg4[%add3A, %add3A_20, %dma_wait3A_31] : memref<32x79x128xi32, #tpu.memory_space<hbm>> -> memref<1x1x128xi32, #tpu.memory_space<hbm>>
        %dma_wait3A_33 = tpu.memref_squeeze %dma_wait3A_32 : memref<1x1x128xi32, #tpu.memory_space<hbm>> -> memref<128xi32, #tpu.memory_space<hbm>>
        %dma_wait3A_34 = arith.constant 0 : i32
        %dma_wait3A_35 = tpu.memref_slice %arg4[%add3A, %add3A_20, %dma_wait3A_34] : memref<32x79x128xi32, #tpu.memory_space<hbm>> -> memref<1x1x128xi32, #tpu.memory_space<hbm>>
        %dma_wait3A_36 = tpu.memref_squeeze %dma_wait3A_35 : memref<1x1x128xi32, #tpu.memory_space<hbm>> -> memref<128xi32, #tpu.memory_space<hbm>>
        tpu.wait_dma2 semaphore(%run_scoped3A : memref<!tpu.dma_semaphore, #tpu.memory_space<semaphore_mem>>) src(%dma_wait3A_36 : memref<128xi32, #tpu.memory_space<hbm>>) dst(%arg8 : memref<128xi32, #tpu.memory_space<vmem>>)
        tpu.yield
      }) : () -> ()
      %dma_start3A = arith.constant 0 : i32
      %dma_start3A_21 = arith.constant 0 : i32
      %dma_start3A_22 = tpu.memref_slice %arg2[%dma_start3A, %dma_start3A_21] : memref<10240x128xf32, #tpu.memory_space<hbm>> -> memref<10240x128xf32, #tpu.memory_space<hbm>>
      tpu.enqueue_indirect_dma source(%dma_start3A_22 : memref<10240x128xf32, #tpu.memory_space<hbm>>) target(%arg9 : memref<128x128xf32, #tpu.memory_space<vmem>>) offsets(%arg7 : memref<128xi32, #tpu.memory_space<vmem>>) semaphore(%arg12 : memref<!tpu.dma_semaphore, #tpu.memory_space<semaphore_mem>>)
      %dma_wait3A = arith.constant 0 : i32
      %dma_wait3A_23 = arith.constant 0 : i32
      %dma_wait3A_24 = tpu.memref_slice %arg2[%dma_wait3A, %dma_wait3A_23] : memref<10240x128xf32, #tpu.memory_space<hbm>> -> memref<10240x128xf32, #tpu.memory_space<hbm>>
      tpu.wait_indirect_dma semaphore(%arg12 : memref<!tpu.dma_semaphore, #tpu.memory_space<semaphore_mem>>) src(%dma_wait3A_24 : memref<10240x128xf32, #tpu.memory_space<hbm>>) dst(%arg9 : memref<128x128xf32, #tpu.memory_space<vmem>>)
      "tpu.region"() ({
        %run_scoped3A = tpu.sem_alloc : memref<!tpu.dma_semaphore, #tpu.memory_space<semaphore_mem>>
        %dma_start3A_25 = arith.constant 0 : i32
        %dma_start3A_26 = arith.constant 0 : i32
        %dma_start3A_27 = tpu.memref_slice %arg11[%dma_start3A_25, %dma_start3A_26] : memref<10240x128xf32, #tpu.memory_space<vmem_shared>> -> memref<10240x128xf32, #tpu.memory_space<vmem_shared>>
        tpu.enqueue_indirect_dma source(%arg9 : memref<128x128xf32, #tpu.memory_space<vmem>>) target(%dma_start3A_27 : memref<10240x128xf32, #tpu.memory_space<vmem_shared>>) offsets(%arg8 : memref<128xi32, #tpu.memory_space<vmem>>) semaphore(%run_scoped3A : memref<!tpu.dma_semaphore, #tpu.memory_space<semaphore_mem>>) {add = true}
        %dma_wait3A_28 = arith.constant 0 : i32
        %dma_wait3A_29 = arith.constant 0 : i32
        %dma_wait3A_30 = tpu.memref_slice %arg11[%dma_wait3A_28, %dma_wait3A_29] : memref<10240x128xf32, #tpu.memory_space<vmem_shared>> -> memref<10240x128xf32, #tpu.memory_space<vmem_shared>>
        tpu.wait_indirect_dma semaphore(%run_scoped3A : memref<!tpu.dma_semaphore, #tpu.memory_space<semaphore_mem>>) src(%arg9 : memref<128x128xf32, #tpu.memory_space<vmem>>) dst(%dma_wait3A_30 : memref<10240x128xf32, #tpu.memory_space<vmem_shared>>)
        tpu.yield
      }) : () -> ()
    }
    %scan3A_9 = arith.constant 79 : i32
    %barrier3A_10 = arith.constant 0 : index
    tpu.barrier barrier_id(%barrier3A_10)
    %scan3A_11 = arith.constant 0 : i32
    %scan3A_12 = arith.constant 5 : i32
    %scan3A_13 = arith.addi %scan3A_11, %scan3A_12 : i32
    %scan3A_14 = arith.constant 1 : i32
    scf.for %scan3A_16 = %scan3A_11 to %scan3A_13 step %scan3A_14  : i32 {
      %mul3A_17 = arith.constant 128 : i32
      %mul3A_18 = arith.muli %scan3A_16, %mul3A_17 : i32
      %add3A_19 = arith.constant 0 : i32
      %add3A_20 = arith.addi %add3A_19, %mul3A_18 : i32
      %mul3A_21 = arith.constant 640 : i32
      %mul3A_22 = arith.muli %arg1, %mul3A_21 : i32
      %add3A_23 = arith.addi %mul3A_22, %add3A_20 : i32
      "tpu.region"() ({
        %run_scoped3A = tpu.sem_alloc : memref<!tpu.dma_semaphore, #tpu.memory_space<semaphore_mem>>
        %dma_start3A = arith.constant 0 : i32
        %dma_start3A_30 = tpu.memref_slice %arg11[%add3A_23, %dma_start3A] : memref<10240x128xf32, #tpu.memory_space<vmem_shared>> -> memref<128x128xf32, #tpu.memory_space<vmem_shared>>
        %dma_start3A_31 = arith.constant 0 : i32
        %dma_start3A_32 = tpu.memref_slice %arg11[%add3A_23, %dma_start3A_31] : memref<10240x128xf32, #tpu.memory_space<vmem_shared>> -> memref<128x128xf32, #tpu.memory_space<vmem_shared>>
        tpu.enqueue_dma source(%dma_start3A_32 : memref<128x128xf32, #tpu.memory_space<vmem_shared>>) target(%arg10 : memref<128x128xf32, #tpu.memory_space<vmem>>) target_semaphore(%run_scoped3A : memref<!tpu.dma_semaphore, #tpu.memory_space<semaphore_mem>>)
        %dma_wait3A = arith.constant 0 : i32
        %dma_wait3A_33 = tpu.memref_slice %arg11[%add3A_23, %dma_wait3A] : memref<10240x128xf32, #tpu.memory_space<vmem_shared>> -> memref<128x128xf32, #tpu.memory_space<vmem_shared>>
        %dma_wait3A_34 = arith.constant 0 : i32
        %dma_wait3A_35 = tpu.memref_slice %arg11[%add3A_23, %dma_wait3A_34] : memref<10240x128xf32, #tpu.memory_space<vmem_shared>> -> memref<128x128xf32, #tpu.memory_space<vmem_shared>>
        tpu.wait_dma2 semaphore(%run_scoped3A : memref<!tpu.dma_semaphore, #tpu.memory_space<semaphore_mem>>) src(%dma_wait3A_35 : memref<128x128xf32, #tpu.memory_space<vmem_shared>>) dst(%arg10 : memref<128x128xf32, #tpu.memory_space<vmem>>)
        tpu.yield
      }) : () -> ()
      %mul3A_24 = arith.constant 10240 : i32
      %mul3A_25 = arith.muli %arg0, %mul3A_24 : i32
      %mul3A_26 = arith.constant 640 : i32
      %mul3A_27 = arith.muli %arg1, %mul3A_26 : i32
      %add3A_28 = arith.addi %mul3A_25, %mul3A_27 : i32
      %add3A_29 = arith.addi %add3A_28, %add3A_20 : i32
      "tpu.region"() ({
        %run_scoped3A = tpu.sem_alloc : memref<!tpu.dma_semaphore, #tpu.memory_space<semaphore_mem>>
        %dma_start3A = arith.constant 0 : i32
        %dma_start3A_30 = tpu.memref_slice %arg6[%add3A_29, %dma_start3A] : memref<20480x128xf32, #tpu.memory_space<hbm>> -> memref<128x128xf32, #tpu.memory_space<hbm>>
        %dma_start3A_31 = arith.constant 0 : i32
        %dma_start3A_32 = tpu.memref_slice %arg6[%add3A_29, %dma_start3A_31] : memref<20480x128xf32, #tpu.memory_space<hbm>> -> memref<128x128xf32, #tpu.memory_space<hbm>>
        tpu.enqueue_dma source(%arg10 : memref<128x128xf32, #tpu.memory_space<vmem>>) target(%dma_start3A_32 : memref<128x128xf32, #tpu.memory_space<hbm>>) target_semaphore(%run_scoped3A : memref<!tpu.dma_semaphore, #tpu.memory_space<semaphore_mem>>)
        %dma_wait3A = arith.constant 0 : i32
        %dma_wait3A_33 = tpu.memref_slice %arg6[%add3A_29, %dma_wait3A] : memref<20480x128xf32, #tpu.memory_space<hbm>> -> memref<128x128xf32, #tpu.memory_space<hbm>>
        %dma_wait3A_34 = arith.constant 0 : i32
        %dma_wait3A_35 = tpu.memref_slice %arg6[%add3A_29, %dma_wait3A_34] : memref<20480x128xf32, #tpu.memory_space<hbm>> -> memref<128x128xf32, #tpu.memory_space<hbm>>
        tpu.wait_dma2 semaphore(%run_scoped3A : memref<!tpu.dma_semaphore, #tpu.memory_space<semaphore_mem>>) src(%arg10 : memref<128x128xf32, #tpu.memory_space<vmem>>) dst(%dma_wait3A_35 : memref<128x128xf32, #tpu.memory_space<hbm>>)
        tpu.yield
      }) : () -> ()
    }
    %scan3A_15 = arith.constant 5 : i32
    return
  }
}

#map = affine_map<(d0, d1) -> (0, 0)>
#map1 = affine_map<(d0, d1) -> (0, 0, 0)>
module attributes {stable_mosaic.version = 14 : i64} {
  func.func @_sc_aggregate(%arg0: i32, %arg1: i32, %arg2: memref<10240x128xf32, #tpu.memory_space<hbm>>, %arg3: memref<32x79x128xi32, #tpu.memory_space<hbm>>, %arg4: memref<32x79x128xi32, #tpu.memory_space<hbm>>, %arg5: memref<128x128xf32, #tpu.memory_space<hbm>>, %arg6: memref<20480x128xf32, #tpu.memory_space<hbm>>, %arg7: memref<128xi32, #tpu.memory_space<vmem>>, %arg8: memref<128xi32, #tpu.memory_space<vmem>>, %arg9: memref<128x128xf32, #tpu.memory_space<vmem>>, %arg10: memref<128x128xf32, #tpu.memory_space<vmem>>, %arg11: memref<10240x128xf32, #tpu.memory_space<vmem_shared>>, %arg12: memref<!tpu.dma_semaphore, #tpu.memory_space<semaphore_mem>>) attributes {dimension_semantics = [#tpu.dimension_semantics<core_parallel>, #tpu.dimension_semantics<subcore_parallel>], iteration_bounds = array<i64: 2, 16>, scalar_prefetch = 0 : i64, scratch_operands = 6 : i64, tpu.core_type = #tpu.core_type<sc_vector_subcore>, window_params = [{transform_indices = #map}, {transform_indices = #map1}, {transform_indices = #map1}, {transform_indices = #map}, {transform_indices = #map}]} {
    %mul3A = arith.constant 16 : i32
    %mul3A_0 = arith.muli %arg0, %mul3A : i32
    %add3A = arith.addi %mul3A_0, %arg1 : i32
    "tpu.region"() ({
      %run_scoped3A = tpu.sem_alloc : memref<!tpu.dma_semaphore, #tpu.memory_space<semaphore_mem>>
      tpu.enqueue_dma source(%arg5 : memref<128x128xf32, #tpu.memory_space<hbm>>) target(%arg10 : memref<128x128xf32, #tpu.memory_space<vmem>>) target_semaphore(%run_scoped3A : memref<!tpu.dma_semaphore, #tpu.memory_space<semaphore_mem>>)
      tpu.wait_dma2 semaphore(%run_scoped3A : memref<!tpu.dma_semaphore, #tpu.memory_space<semaphore_mem>>) src(%arg5 : memref<128x128xf32, #tpu.memory_space<hbm>>) dst(%arg10 : memref<128x128xf32, #tpu.memory_space<vmem>>)
      tpu.yield
    }) : () -> ()
    %scan3A = arith.constant 0 : i32
    %scan3A_1 = arith.constant 5 : i32
    %scan3A_2 = arith.addi %scan3A, %scan3A_1 : i32
    %scan3A_3 = arith.constant 1 : i32
    scf.for %scan3A_16 = %scan3A to %scan3A_2 step %scan3A_3  : i32 {
      %mul3A_17 = arith.constant 128 : i32
      %mul3A_18 = arith.muli %scan3A_16, %mul3A_17 : i32
      %add3A_19 = arith.constant 0 : i32
      %add3A_20 = arith.addi %add3A_19, %mul3A_18 : i32
      %mul3A_21 = arith.constant 640 : i32
      %mul3A_22 = arith.muli %arg1, %mul3A_21 : i32
      %add3A_23 = arith.addi %mul3A_22, %add3A_20 : i32
      "tpu.region"() ({
        %run_scoped3A = tpu.sem_alloc : memref<!tpu.dma_semaphore, #tpu.memory_space<semaphore_mem>>
        %dma_start3A = arith.constant 0 : i32
        %dma_start3A_24 = tpu.memref_slice %arg11[%add3A_23, %dma_start3A] : memref<10240x128xf32, #tpu.memory_space<vmem_shared>> -> memref<128x128xf32, #tpu.memory_space<vmem_shared>>
        %dma_start3A_25 = arith.constant 0 : i32
        %dma_start3A_26 = tpu.memref_slice %arg11[%add3A_23, %dma_start3A_25] : memref<10240x128xf32, #tpu.memory_space<vmem_shared>> -> memref<128x128xf32, #tpu.memory_space<vmem_shared>>
        tpu.enqueue_dma source(%arg10 : memref<128x128xf32, #tpu.memory_space<vmem>>) target(%dma_start3A_26 : memref<128x128xf32, #tpu.memory_space<vmem_shared>>) target_semaphore(%run_scoped3A : memref<!tpu.dma_semaphore, #tpu.memory_space<semaphore_mem>>)
        %dma_wait3A = arith.constant 0 : i32
        %dma_wait3A_27 = tpu.memref_slice %arg11[%add3A_23, %dma_wait3A] : memref<10240x128xf32, #tpu.memory_space<vmem_shared>> -> memref<128x128xf32, #tpu.memory_space<vmem_shared>>
        %dma_wait3A_28 = arith.constant 0 : i32
        %dma_wait3A_29 = tpu.memref_slice %arg11[%add3A_23, %dma_wait3A_28] : memref<10240x128xf32, #tpu.memory_space<vmem_shared>> -> memref<128x128xf32, #tpu.memory_space<vmem_shared>>
        tpu.wait_dma2 semaphore(%run_scoped3A : memref<!tpu.dma_semaphore, #tpu.memory_space<semaphore_mem>>) src(%arg10 : memref<128x128xf32, #tpu.memory_space<vmem>>) dst(%dma_wait3A_29 : memref<128x128xf32, #tpu.memory_space<vmem_shared>>)
        tpu.yield
      }) : () -> ()
    }
    %scan3A_4 = arith.constant 5 : i32
    %barrier3A = arith.constant 0 : index
    tpu.barrier barrier_id(%barrier3A)
    %scan3A_5 = arith.constant 0 : i32
    %scan3A_6 = arith.constant 79 : i32
    %scan3A_7 = arith.addi %scan3A_5, %scan3A_6 : i32
    %scan3A_8 = arith.constant 1 : i32
    scf.for %scan3A_16 = %scan3A_5 to %scan3A_7 step %scan3A_8  : i32 {
      %mul3A_17 = arith.constant 1 : i32
      %mul3A_18 = arith.muli %scan3A_16, %mul3A_17 : i32
      %add3A_19 = arith.constant 0 : i32
      %add3A_20 = arith.addi %add3A_19, %mul3A_18 : i32
      "tpu.region"() ({
        %run_scoped3A = tpu.sem_alloc : memref<!tpu.dma_semaphore, #tpu.memory_space<semaphore_mem>>
        %dma_start3A_25 = arith.constant 0 : i32
        %dma_start3A_26 = tpu.memref_slice %arg3[%add3A, %add3A_20, %dma_start3A_25] : memref<32x79x128xi32, #tpu.memory_space<hbm>> -> memref<1x1x128xi32, #tpu.memory_space<hbm>>
        %dma_start3A_27 = tpu.memref_squeeze %dma_start3A_26 : memref<1x1x128xi32, #tpu.memory_space<hbm>> -> memref<128xi32, #tpu.memory_space<hbm>>
        %dma_start3A_28 = arith.constant 0 : i32
        %dma_start3A_29 = tpu.memref_slice %arg3[%add3A, %add3A_20, %dma_start3A_28] : memref<32x79x128xi32, #tpu.memory_space<hbm>> -> memref<1x1x128xi32, #tpu.memory_space<hbm>>
        %dma_start3A_30 = tpu.memref_squeeze %dma_start3A_29 : memref<1x1x128xi32, #tpu.memory_space<hbm>> -> memref<128xi32, #tpu.memory_space<hbm>>
        tpu.enqueue_dma source(%dma_start3A_30 : memref<128xi32, #tpu.memory_space<hbm>>) target(%arg7 : memref<128xi32, #tpu.memory_space<vmem>>) target_semaphore(%run_scoped3A : memref<!tpu.dma_semaphore, #tpu.memory_space<semaphore_mem>>)
        %dma_wait3A_31 = arith.constant 0 : i32
        %dma_wait3A_32 = tpu.memref_slice %arg3[%add3A, %add3A_20, %dma_wait3A_31] : memref<32x79x128xi32, #tpu.memory_space<hbm>> -> memref<1x1x128xi32, #tpu.memory_space<hbm>>
        %dma_wait3A_33 = tpu.memref_squeeze %dma_wait3A_32 : memref<1x1x128xi32, #tpu.memory_space<hbm>> -> memref<128xi32, #tpu.memory_space<hbm>>
        %dma_wait3A_34 = arith.constant 0 : i32
        %dma_wait3A_35 = tpu.memref_slice %arg3[%add3A, %add3A_20, %dma_wait3A_34] : memref<32x79x128xi32, #tpu.memory_space<hbm>> -> memref<1x1x128xi32, #tpu.memory_space<hbm>>
        %dma_wait3A_36 = tpu.memref_squeeze %dma_wait3A_35 : memref<1x1x128xi32, #tpu.memory_space<hbm>> -> memref<128xi32, #tpu.memory_space<hbm>>
        tpu.wait_dma2 semaphore(%run_scoped3A : memref<!tpu.dma_semaphore, #tpu.memory_space<semaphore_mem>>) src(%dma_wait3A_36 : memref<128xi32, #tpu.memory_space<hbm>>) dst(%arg7 : memref<128xi32, #tpu.memory_space<vmem>>)
        tpu.yield
      }) : () -> ()
      "tpu.region"() ({
        %run_scoped3A = tpu.sem_alloc : memref<!tpu.dma_semaphore, #tpu.memory_space<semaphore_mem>>
        %dma_start3A_25 = arith.constant 0 : i32
        %dma_start3A_26 = tpu.memref_slice %arg4[%add3A, %add3A_20, %dma_start3A_25] : memref<32x79x128xi32, #tpu.memory_space<hbm>> -> memref<1x1x128xi32, #tpu.memory_space<hbm>>
        %dma_start3A_27 = tpu.memref_squeeze %dma_start3A_26 : memref<1x1x128xi32, #tpu.memory_space<hbm>> -> memref<128xi32, #tpu.memory_space<hbm>>
        %dma_start3A_28 = arith.constant 0 : i32
        %dma_start3A_29 = tpu.memref_slice %arg4[%add3A, %add3A_20, %dma_start3A_28] : memref<32x79x128xi32, #tpu.memory_space<hbm>> -> memref<1x1x128xi32, #tpu.memory_space<hbm>>
        %dma_start3A_30 = tpu.memref_squeeze %dma_start3A_29 : memref<1x1x128xi32, #tpu.memory_space<hbm>> -> memref<128xi32, #tpu.memory_space<hbm>>
        tpu.enqueue_dma source(%dma_start3A_30 : memref<128xi32, #tpu.memory_space<hbm>>) target(%arg8 : memref<128xi32, #tpu.memory_space<vmem>>) target_semaphore(%run_scoped3A : memref<!tpu.dma_semaphore, #tpu.memory_space<semaphore_mem>>)
        %dma_wait3A_31 = arith.constant 0 : i32
        %dma_wait3A_32 = tpu.memref_slice %arg4[%add3A, %add3A_20, %dma_wait3A_31] : memref<32x79x128xi32, #tpu.memory_space<hbm>> -> memref<1x1x128xi32, #tpu.memory_space<hbm>>
        %dma_wait3A_33 = tpu.memref_squeeze %dma_wait3A_32 : memref<1x1x128xi32, #tpu.memory_space<hbm>> -> memref<128xi32, #tpu.memory_space<hbm>>
        %dma_wait3A_34 = arith.constant 0 : i32
        %dma_wait3A_35 = tpu.memref_slice %arg4[%add3A, %add3A_20, %dma_wait3A_34] : memref<32x79x128xi32, #tpu.memory_space<hbm>> -> memref<1x1x128xi32, #tpu.memory_space<hbm>>
        %dma_wait3A_36 = tpu.memref_squeeze %dma_wait3A_35 : memref<1x1x128xi32, #tpu.memory_space<hbm>> -> memref<128xi32, #tpu.memory_space<hbm>>
        tpu.wait_dma2 semaphore(%run_scoped3A : memref<!tpu.dma_semaphore, #tpu.memory_space<semaphore_mem>>) src(%dma_wait3A_36 : memref<128xi32, #tpu.memory_space<hbm>>) dst(%arg8 : memref<128xi32, #tpu.memory_space<vmem>>)
        tpu.yield
      }) : () -> ()
      %dma_start3A = arith.constant 0 : i32
      %dma_start3A_21 = arith.constant 0 : i32
      %dma_start3A_22 = tpu.memref_slice %arg2[%dma_start3A, %dma_start3A_21] : memref<10240x128xf32, #tpu.memory_space<hbm>> -> memref<10240x128xf32, #tpu.memory_space<hbm>>
      tpu.enqueue_indirect_dma source(%dma_start3A_22 : memref<10240x128xf32, #tpu.memory_space<hbm>>) target(%arg9 : memref<128x128xf32, #tpu.memory_space<vmem>>) offsets(%arg7 : memref<128xi32, #tpu.memory_space<vmem>>) semaphore(%arg12 : memref<!tpu.dma_semaphore, #tpu.memory_space<semaphore_mem>>)
      %dma_wait3A = arith.constant 0 : i32
      %dma_wait3A_23 = arith.constant 0 : i32
      %dma_wait3A_24 = tpu.memref_slice %arg2[%dma_wait3A, %dma_wait3A_23] : memref<10240x128xf32, #tpu.memory_space<hbm>> -> memref<10240x128xf32, #tpu.memory_space<hbm>>
      tpu.wait_indirect_dma semaphore(%arg12 : memref<!tpu.dma_semaphore, #tpu.memory_space<semaphore_mem>>) src(%dma_wait3A_24 : memref<10240x128xf32, #tpu.memory_space<hbm>>) dst(%arg9 : memref<128x128xf32, #tpu.memory_space<vmem>>)
      "tpu.region"() ({
        %run_scoped3A = tpu.sem_alloc : memref<!tpu.dma_semaphore, #tpu.memory_space<semaphore_mem>>
        %dma_start3A_25 = arith.constant 0 : i32
        %dma_start3A_26 = arith.constant 0 : i32
        %dma_start3A_27 = tpu.memref_slice %arg11[%dma_start3A_25, %dma_start3A_26] : memref<10240x128xf32, #tpu.memory_space<vmem_shared>> -> memref<10240x128xf32, #tpu.memory_space<vmem_shared>>
        tpu.enqueue_indirect_dma source(%arg9 : memref<128x128xf32, #tpu.memory_space<vmem>>) target(%dma_start3A_27 : memref<10240x128xf32, #tpu.memory_space<vmem_shared>>) offsets(%arg8 : memref<128xi32, #tpu.memory_space<vmem>>) semaphore(%run_scoped3A : memref<!tpu.dma_semaphore, #tpu.memory_space<semaphore_mem>>) {add = true}
        %dma_wait3A_28 = arith.constant 0 : i32
        %dma_wait3A_29 = arith.constant 0 : i32
        %dma_wait3A_30 = tpu.memref_slice %arg11[%dma_wait3A_28, %dma_wait3A_29] : memref<10240x128xf32, #tpu.memory_space<vmem_shared>> -> memref<10240x128xf32, #tpu.memory_space<vmem_shared>>
        tpu.wait_indirect_dma semaphore(%run_scoped3A : memref<!tpu.dma_semaphore, #tpu.memory_space<semaphore_mem>>) src(%arg9 : memref<128x128xf32, #tpu.memory_space<vmem>>) dst(%dma_wait3A_30 : memref<10240x128xf32, #tpu.memory_space<vmem_shared>>)
        tpu.yield
      }) : () -> ()
    }
    %scan3A_9 = arith.constant 79 : i32
    %barrier3A_10 = arith.constant 0 : index
    tpu.barrier barrier_id(%barrier3A_10)
    %scan3A_11 = arith.constant 0 : i32
    %scan3A_12 = arith.constant 5 : i32
    %scan3A_13 = arith.addi %scan3A_11, %scan3A_12 : i32
    %scan3A_14 = arith.constant 1 : i32
    scf.for %scan3A_16 = %scan3A_11 to %scan3A_13 step %scan3A_14  : i32 {
      %mul3A_17 = arith.constant 128 : i32
      %mul3A_18 = arith.muli %scan3A_16, %mul3A_17 : i32
      %add3A_19 = arith.constant 0 : i32
      %add3A_20 = arith.addi %add3A_19, %mul3A_18 : i32
      %mul3A_21 = arith.constant 640 : i32
      %mul3A_22 = arith.muli %arg1, %mul3A_21 : i32
      %add3A_23 = arith.addi %mul3A_22, %add3A_20 : i32
      "tpu.region"() ({
        %run_scoped3A = tpu.sem_alloc : memref<!tpu.dma_semaphore, #tpu.memory_space<semaphore_mem>>
        %dma_start3A = arith.constant 0 : i32
        %dma_start3A_30 = tpu.memref_slice %arg11[%add3A_23, %dma_start3A] : memref<10240x128xf32, #tpu.memory_space<vmem_shared>> -> memref<128x128xf32, #tpu.memory_space<vmem_shared>>
        %dma_start3A_31 = arith.constant 0 : i32
        %dma_start3A_32 = tpu.memref_slice %arg11[%add3A_23, %dma_start3A_31] : memref<10240x128xf32, #tpu.memory_space<vmem_shared>> -> memref<128x128xf32, #tpu.memory_space<vmem_shared>>
        tpu.enqueue_dma source(%dma_start3A_32 : memref<128x128xf32, #tpu.memory_space<vmem_shared>>) target(%arg10 : memref<128x128xf32, #tpu.memory_space<vmem>>) target_semaphore(%run_scoped3A : memref<!tpu.dma_semaphore, #tpu.memory_space<semaphore_mem>>)
        %dma_wait3A = arith.constant 0 : i32
        %dma_wait3A_33 = tpu.memref_slice %arg11[%add3A_23, %dma_wait3A] : memref<10240x128xf32, #tpu.memory_space<vmem_shared>> -> memref<128x128xf32, #tpu.memory_space<vmem_shared>>
        %dma_wait3A_34 = arith.constant 0 : i32
        %dma_wait3A_35 = tpu.memref_slice %arg11[%add3A_23, %dma_wait3A_34] : memref<10240x128xf32, #tpu.memory_space<vmem_shared>> -> memref<128x128xf32, #tpu.memory_space<vmem_shared>>
        tpu.wait_dma2 semaphore(%run_scoped3A : memref<!tpu.dma_semaphore, #tpu.memory_space<semaphore_mem>>) src(%dma_wait3A_35 : memref<128x128xf32, #tpu.memory_space<vmem_shared>>) dst(%arg10 : memref<128x128xf32, #tpu.memory_space<vmem>>)
        tpu.yield
      }) : () -> ()
      %mul3A_24 = arith.constant 10240 : i32
      %mul3A_25 = arith.muli %arg0, %mul3A_24 : i32
      %mul3A_26 = arith.constant 640 : i32
      %mul3A_27 = arith.muli %arg1, %mul3A_26 : i32
      %add3A_28 = arith.addi %mul3A_25, %mul3A_27 : i32
      %add3A_29 = arith.addi %add3A_28, %add3A_20 : i32
      "tpu.region"() ({
        %run_scoped3A = tpu.sem_alloc : memref<!tpu.dma_semaphore, #tpu.memory_space<semaphore_mem>>
        %dma_start3A = arith.constant 0 : i32
        %dma_start3A_30 = tpu.memref_slice %arg6[%add3A_29, %dma_start3A] : memref<20480x128xf32, #tpu.memory_space<hbm>> -> memref<128x128xf32, #tpu.memory_space<hbm>>
        %dma_start3A_31 = arith.constant 0 : i32
        %dma_start3A_32 = tpu.memref_slice %arg6[%add3A_29, %dma_start3A_31] : memref<20480x128xf32, #tpu.memory_space<hbm>> -> memref<128x128xf32, #tpu.memory_space<hbm>>
        tpu.enqueue_dma source(%arg10 : memref<128x128xf32, #tpu.memory_space<vmem>>) target(%dma_start3A_32 : memref<128x128xf32, #tpu.memory_space<hbm>>) target_semaphore(%run_scoped3A : memref<!tpu.dma_semaphore, #tpu.memory_space<semaphore_mem>>)
        %dma_wait3A = arith.constant 0 : i32
        %dma_wait3A_33 = tpu.memref_slice %arg6[%add3A_29, %dma_wait3A] : memref<20480x128xf32, #tpu.memory_space<hbm>> -> memref<128x128xf32, #tpu.memory_space<hbm>>
        %dma_wait3A_34 = arith.constant 0 : i32
        %dma_wait3A_35 = tpu.memref_slice %arg6[%add3A_29, %dma_wait3A_34] : memref<20480x128xf32, #tpu.memory_space<hbm>> -> memref<128x128xf32, #tpu.memory_space<hbm>>
        tpu.wait_dma2 semaphore(%run_scoped3A : memref<!tpu.dma_semaphore, #tpu.memory_space<semaphore_mem>>) src(%arg10 : memref<128x128xf32, #tpu.memory_space<vmem>>) dst(%dma_wait3A_35 : memref<128x128xf32, #tpu.memory_space<hbm>>)
        tpu.yield
      }) : () -> ()
    }
    %scan3A_15 = arith.constant 5 : i32
    return
  }
}

module attributes {stable_mosaic.version = 14 : i64} {
  func.func @body(%arg0: memref<32x10240xf32, #tpu.memory_space<vmem>>, %arg1: memref<10240x1xf32, #tpu.memory_space<vmem>>) attributes {dimension_semantics = [], scalar_prefetch = 0 : i64, scratch_operands = 0 : i64, tpu.core_type = #tpu.core_type<tc>} {
    %get3A = arith.constant 0 : index
    %get3A_0 = arith.constant 0 : index
    %get3A_1 = vector.load %arg0[%get3A, %get3A_0] : memref<32x10240xf32, #tpu.memory_space<vmem>>, vector<32x10240xf32>
    %reduce_sum3A = arith.constant dense<0.000000e+00> : vector<10240xf32>
    %reduce_sum3A_2 = vector.multi_reduction <add>, %get3A_1, %reduce_sum3A [0] : vector<32x10240xf32> to vector<10240xf32>
    %broadcast_in_dim3A = vector.shape_cast %reduce_sum3A_2 : vector<10240xf32> to vector<1x10240xf32>
    %add3A = arith.constant 1.000000e+00 : f32
    %add3A_3 = vector.broadcast %add3A : f32 to vector<1x10240xf32>
    %add3A_4 = arith.addf %broadcast_in_dim3A, %add3A_3 : vector<1x10240xf32>
    %rsqrt3A = math.rsqrt %add3A_4 : vector<1x10240xf32>
    %transpose3A = tpu.transpose %rsqrt3A, [1, 0] : vector<1x10240xf32> -> vector<10240x1xf32>
    %swap3A = arith.constant 0 : index
    %swap3A_5 = arith.constant 0 : index
    %swap3A_6 = vector.load %arg1[%swap3A, %swap3A_5] : memref<10240x1xf32, #tpu.memory_space<vmem>>, vector<10240x1xf32>
    tpu.vector_store %arg1[%swap3A, %swap3A_5], %transpose3A {strides = array<i32>} : memref<10240x1xf32, #tpu.memory_space<vmem>>, vector<10240x1xf32>,
    return
  }
}

module attributes {stable_mosaic.version = 14 : i64} {
  func.func @body(%arg0: i32, %arg1: memref<1024x128xf32, #tpu.memory_space<vmem>>, %arg2: memref<128x128xf32, #tpu.memory_space<vmem>>, %arg3: memref<1024x1xf32, #tpu.memory_space<vmem>>, %arg4: memref<1024x128xf32, #tpu.memory_space<vmem>>) attributes {dimension_semantics = [#tpu.dimension_semantics<arbitrary>], iteration_bounds = array<i64: 10>, scalar_prefetch = 0 : i64, scratch_operands = 0 : i64, tpu.core_type = #tpu.core_type<tc>, window_params = [{transform_indices = @transform_0, window_bounds = array<i64: 1024, 128>}, {pipeline_mode = #tpu.pipeline_mode<synchronous>, transform_indices = @transform_1, window_bounds = array<i64: 128, 128>}, {transform_indices = @transform_2, window_bounds = array<i64: 1024, 1>}, {transform_indices = @transform_3, window_bounds = array<i64: 1024, 128>}]} {
    %get3A = arith.constant 0 : index
    %get3A_0 = arith.constant 0 : index
    %get3A_1 = vector.load %arg3[%get3A, %get3A_0] : memref<1024x1xf32, #tpu.memory_space<vmem>>, vector<1024x1xf32>
    %get3A_2 = arith.constant 0 : index
    %get3A_3 = arith.constant 0 : index
    %get3A_4 = vector.load %arg1[%get3A_2, %get3A_3] : memref<1024x128xf32, #tpu.memory_space<vmem>>, vector<1024x128xf32>
    %get3A_5 = arith.constant 0 : index
    %get3A_6 = arith.constant 0 : index
    %get3A_7 = vector.load %arg2[%get3A_5, %get3A_6] : memref<128x128xf32, #tpu.memory_space<vmem>>, vector<128x128xf32>
    %dot_general3A = arith.constant dense<0.000000e+00> : vector<1024x128xf32>
    %dot_general3A_8 = tpu.matmul %get3A_4, %get3A_7, %dot_general3A {dimension_numbers = #tpu.dot_dimension_numbers<[1], [0], [0], [1], [0, 0, 1, 1], [], []>, transpose_lhs_hint = false} : vector<1024x128xf32>, vector<128x128xf32>, vector<1024x128xf32> -> vector<1024x128xf32>
    %mul3A = vector.broadcast %get3A_1 : vector<1024x1xf32> to vector<1024x128xf32>
    %mul3A_9 = arith.mulf %mul3A, %dot_general3A_8 : vector<1024x128xf32>
    %swap3A = arith.constant 0 : index
    %swap3A_10 = arith.constant 0 : index
    %swap3A_11 = vector.load %arg4[%swap3A, %swap3A_10] : memref<1024x128xf32, #tpu.memory_space<vmem>>, vector<1024x128xf32>
    tpu.vector_store %arg4[%swap3A, %swap3A_10], %mul3A_9 {strides = array<i32>} : memref<1024x128xf32, #tpu.memory_space<vmem>>, vector<1024x128xf32>,
    return
  }
  func.func @transform_0(%arg0: i32) -> (i32, i32) {
    %c0_i32 = arith.constant 0 : i32
    %c0_i32_0 = arith.constant 0 : i32
    return %arg0, %c0_i32 : i32, i32
  }
  func.func @transform_1(%arg0: i32) -> (i32, i32) {
    %c0_i32 = arith.constant 0 : i32
    %c0_i32_0 = arith.constant 0 : i32
    %c0_i32_1 = arith.constant 0 : i32
    return %c0_i32, %c0_i32_0 : i32, i32
  }
  func.func @transform_2(%arg0: i32) -> (i32, i32) {
    %c0_i32 = arith.constant 0 : i32
    %c0_i32_0 = arith.constant 0 : i32
    return %arg0, %c0_i32 : i32, i32
  }
  func.func @transform_3(%arg0: i32) -> (i32, i32) {
    %c0_i32 = arith.constant 0 : i32
    %c0_i32_0 = arith.constant 0 : i32
    return %arg0, %c0_i32 : i32, i32
  }
}

module attributes {stable_mosaic.version = 14 : i64} {
  func.func @body(%arg0: i32, %arg1: memref<1024x128xf32, #tpu.memory_space<vmem>>, %arg2: memref<1024x128xf32, #tpu.memory_space<vmem>>, %arg3: memref<1024x128xf32, #tpu.memory_space<vmem>>, %arg4: memref<1024x1xf32, #tpu.memory_space<vmem>>, %arg5: memref<1x128xf32, #tpu.memory_space<vmem>>, %arg6: memref<1x128xf32, #tpu.memory_space<vmem>>, %arg7: memref<1x128xf32, #tpu.memory_space<vmem>>, %arg8: memref<1024x128xf32, #tpu.memory_space<vmem>>) attributes {dimension_semantics = [#tpu.dimension_semantics<arbitrary>], iteration_bounds = array<i64: 10>, scalar_prefetch = 0 : i64, scratch_operands = 0 : i64, tpu.core_type = #tpu.core_type<tc>, window_params = [{transform_indices = @transform_0, window_bounds = array<i64: 1024, 128>}, {transform_indices = @transform_1, window_bounds = array<i64: 1024, 128>}, {transform_indices = @transform_2, window_bounds = array<i64: 1024, 128>}, {transform_indices = @transform_3, window_bounds = array<i64: 1024, 1>}, {pipeline_mode = #tpu.pipeline_mode<synchronous>, transform_indices = @transform_4, window_bounds = array<i64: 1, 128>}, {pipeline_mode = #tpu.pipeline_mode<synchronous>, transform_indices = @transform_5, window_bounds = array<i64: 1, 128>}, {pipeline_mode = #tpu.pipeline_mode<synchronous>, transform_indices = @transform_6, window_bounds = array<i64: 1, 128>}, {transform_indices = @transform_7, window_bounds = array<i64: 1024, 128>}]} {
    %get3A = arith.constant 0 : index
    %get3A_0 = arith.constant 0 : index
    %get3A_1 = vector.load %arg6[%get3A, %get3A_0] : memref<1x128xf32, #tpu.memory_space<vmem>>, vector<1x128xf32>
    %rsqrt3A = arith.constant 1.000010e+00 : f32
    %rsqrt3A_2 = math.rsqrt %rsqrt3A : f32
    %mul3A = vector.broadcast %rsqrt3A_2 : f32 to vector<1x128xf32>
    %mul3A_3 = arith.mulf %get3A_1, %mul3A : vector<1x128xf32>
    %get3A_4 = arith.constant 0 : index
    %get3A_5 = arith.constant 0 : index
    %get3A_6 = vector.load %arg4[%get3A_4, %get3A_5] : memref<1024x1xf32, #tpu.memory_space<vmem>>, vector<1024x1xf32>
    %get3A_7 = arith.constant 0 : index
    %get3A_8 = arith.constant 0 : index
    %get3A_9 = vector.load %arg1[%get3A_7, %get3A_8] : memref<1024x128xf32, #tpu.memory_space<vmem>>, vector<1024x128xf32>
    %get3A_10 = arith.constant 0 : index
    %get3A_11 = arith.constant 0 : index
    %get3A_12 = vector.load %arg2[%get3A_10, %get3A_11] : memref<1024x128xf32, #tpu.memory_space<vmem>>, vector<1024x128xf32>
    %add3A = arith.addf %get3A_9, %get3A_12 : vector<1024x128xf32>
    %get3A_13 = arith.constant 0 : index
    %get3A_14 = arith.constant 0 : index
    %get3A_15 = vector.load %arg3[%get3A_13, %get3A_14] : memref<1024x128xf32, #tpu.memory_space<vmem>>, vector<1024x128xf32>
    %add3A_16 = arith.addf %add3A, %get3A_15 : vector<1024x128xf32>
    %mul3A_17 = vector.broadcast %get3A_6 : vector<1024x1xf32> to vector<1024x128xf32>
    %mul3A_18 = arith.mulf %mul3A_17, %add3A_16 : vector<1024x128xf32>
    %get3A_19 = arith.constant 0 : index
    %get3A_20 = arith.constant 0 : index
    %get3A_21 = vector.load %arg5[%get3A_19, %get3A_20] : memref<1x128xf32, #tpu.memory_space<vmem>>, vector<1x128xf32>
    %add3A_22 = vector.broadcast %get3A_21 : vector<1x128xf32> to vector<1024x128xf32>
    %add3A_23 = arith.addf %mul3A_18, %add3A_22 : vector<1024x128xf32>
    %mul3A_24 = vector.broadcast %mul3A_3 : vector<1x128xf32> to vector<1024x128xf32>
    %mul3A_25 = arith.mulf %mul3A_24, %add3A_23 : vector<1024x128xf32>
    %get3A_26 = arith.constant 0 : index
    %get3A_27 = arith.constant 0 : index
    %get3A_28 = vector.load %arg7[%get3A_26, %get3A_27] : memref<1x128xf32, #tpu.memory_space<vmem>>, vector<1x128xf32>
    %add3A_29 = vector.broadcast %get3A_28 : vector<1x128xf32> to vector<1024x128xf32>
    %add3A_30 = arith.addf %mul3A_25, %add3A_29 : vector<1024x128xf32>
    %max3A = arith.constant 0.000000e+00 : f32
    %max3A_31 = vector.broadcast %max3A : f32 to vector<1024x128xf32>
    %max3A_32 = arith.maximumf %add3A_30, %max3A_31 : vector<1024x128xf32>
    %swap3A = arith.constant 0 : index
    %swap3A_33 = arith.constant 0 : index
    %swap3A_34 = vector.load %arg8[%swap3A, %swap3A_33] : memref<1024x128xf32, #tpu.memory_space<vmem>>, vector<1024x128xf32>
    tpu.vector_store %arg8[%swap3A, %swap3A_33], %max3A_32 {strides = array<i32>} : memref<1024x128xf32, #tpu.memory_space<vmem>>, vector<1024x128xf32>,
    return
  }
  func.func @transform_0(%arg0: i32) -> (i32, i32) {
    %c0_i32 = arith.constant 0 : i32
    %c0_i32_0 = arith.constant 0 : i32
    return %arg0, %c0_i32 : i32, i32
  }
  func.func @transform_1(%arg0: i32) -> (i32, i32) {
    %add3A = arith.constant 10 : i32
    %add3A_0 = arith.addi %add3A, %arg0 : i32
    %c0_i32 = arith.constant 0 : i32
    %c0_i32_1 = arith.constant 0 : i32
    return %add3A_0, %c0_i32 : i32, i32
  }
  func.func @transform_2(%arg0: i32) -> (i32, i32) {
    %c0_i32 = arith.constant 0 : i32
    %c0_i32_0 = arith.constant 0 : i32
    return %arg0, %c0_i32 : i32, i32
  }
  func.func @transform_3(%arg0: i32) -> (i32, i32) {
    %c0_i32 = arith.constant 0 : i32
    %c0_i32_0 = arith.constant 0 : i32
    return %arg0, %c0_i32 : i32, i32
  }
  func.func @transform_4(%arg0: i32) -> (i32, i32) {
    %c0_i32 = arith.constant 0 : i32
    %c0_i32_0 = arith.constant 0 : i32
    %c0_i32_1 = arith.constant 0 : i32
    return %c0_i32, %c0_i32_0 : i32, i32
  }
  func.func @transform_5(%arg0: i32) -> (i32, i32) {
    %c0_i32 = arith.constant 0 : i32
    %c0_i32_0 = arith.constant 0 : i32
    %c0_i32_1 = arith.constant 0 : i32
    return %c0_i32, %c0_i32_0 : i32, i32
  }
  func.func @transform_6(%arg0: i32) -> (i32, i32) {
    %c0_i32 = arith.constant 0 : i32
    %c0_i32_0 = arith.constant 0 : i32
    %c0_i32_1 = arith.constant 0 : i32
    return %c0_i32, %c0_i32_0 : i32, i32
  }
  func.func @transform_7(%arg0: i32) -> (i32, i32) {
    %c0_i32 = arith.constant 0 : i32
    %c0_i32_0 = arith.constant 0 : i32
    return %arg0, %c0_i32 : i32, i32
  }
}

module attributes {stable_mosaic.version = 14 : i64} {
  func.func @body(%arg0: i32, %arg1: memref<1024x128xf32, #tpu.memory_space<vmem>>, %arg2: memref<1024x1xi32, #tpu.memory_space<vmem>>, %arg3: memref<128x128xf32, #tpu.memory_space<vmem>>, %arg4: memref<1x128xf32, #tpu.memory_space<vmem>>, %arg5: memref<1x128xf32, #tpu.memory_space<vmem>>, %arg6: memref<1x128xf32, #tpu.memory_space<vmem>>, %arg7: memref<128x10xf32, #tpu.memory_space<vmem>>, %arg8: memref<1x10xf32, #tpu.memory_space<vmem>>, %arg9: memref<64x10xf32, #tpu.memory_space<vmem>>, %arg10: memref<64x128xf32, #tpu.memory_space<vmem>>, %arg11: memref<1x64xf32, #tpu.memory_space<vmem>>) attributes {dimension_semantics = [#tpu.dimension_semantics<arbitrary>], iteration_bounds = array<i64: 10>, scalar_prefetch = 0 : i64, scratch_operands = 2 : i64, tpu.core_type = #tpu.core_type<tc>, window_params = [{transform_indices = @transform_0, window_bounds = array<i64: 1024, 128>}, {transform_indices = @transform_1, window_bounds = array<i64: 1024, 1>}, {pipeline_mode = #tpu.pipeline_mode<synchronous>, transform_indices = @transform_2, window_bounds = array<i64: 128, 128>}, {pipeline_mode = #tpu.pipeline_mode<synchronous>, transform_indices = @transform_3, window_bounds = array<i64: 1, 128>}, {pipeline_mode = #tpu.pipeline_mode<synchronous>, transform_indices = @transform_4, window_bounds = array<i64: 1, 128>}, {pipeline_mode = #tpu.pipeline_mode<synchronous>, transform_indices = @transform_5, window_bounds = array<i64: 1, 128>}, {pipeline_mode = #tpu.pipeline_mode<synchronous>, transform_indices = @transform_6, window_bounds = array<i64: 128, 10>}, {pipeline_mode = #tpu.pipeline_mode<synchronous>, transform_indices = @transform_7, window_bounds = array<i64: 1, 10>}, {pipeline_mode = #tpu.pipeline_mode<synchronous>, transform_indices = @transform_8, window_bounds = array<i64: 64, 10>}]} {
    %eq3A = arith.constant 0 : i32
    %eq3A_0 = arith.cmpi eq, %arg0, %eq3A : i32
    %convert_element_type3A = arith.extui %eq3A_0 : i1 to i32
    %cond3A = arith.constant 0 : i32
    %cond3A_1 = arith.cmpi ne, %convert_element_type3A, %cond3A : i32
    scf.if %cond3A_1 {
      %broadcast_in_dim3A_30 = arith.constant 0.000000e+00 : f32
      %broadcast_in_dim3A_31 = vector.broadcast %broadcast_in_dim3A_30 : f32 to vector<64x128xf32>
      %swap3A_32 = arith.constant 0 : index
      %swap3A_33 = arith.constant 0 : index
      %swap3A_34 = vector.load %arg10[%swap3A_32, %swap3A_33] : memref<64x128xf32, #tpu.memory_space<vmem>>, vector<64x128xf32>
      tpu.vector_store %arg10[%swap3A_32, %swap3A_33], %broadcast_in_dim3A_31 {strides = array<i32>} : memref<64x128xf32, #tpu.memory_space<vmem>>, vector<64x128xf32>,
      %broadcast_in_dim3A_35 = arith.constant 0.000000e+00 : f32
      %broadcast_in_dim3A_36 = vector.broadcast %broadcast_in_dim3A_35 : f32 to vector<1x64xf32>
      %swap3A_37 = arith.constant 0 : index
      %swap3A_38 = arith.constant 0 : index
      %swap3A_39 = vector.load %arg11[%swap3A_37, %swap3A_38] : memref<1x64xf32, #tpu.memory_space<vmem>>, vector<1x64xf32>
      tpu.vector_store %arg11[%swap3A_37, %swap3A_38], %broadcast_in_dim3A_36 {strides = array<i32>} : memref<1x64xf32, #tpu.memory_space<vmem>>, vector<1x64xf32>,
    } else {
    }
    %get3A = arith.constant 0 : index
    %get3A_2 = arith.constant 0 : index
    %get3A_3 = vector.load %arg2[%get3A, %get3A_2] : memref<1024x1xi32, #tpu.memory_space<vmem>>, vector<1024x1xi32>
    %iota3A = tpu.iota {dimensions = array<i32: 1>} : vector<1024x64xi32>
    %eq3A_4 = vector.broadcast %get3A_3 : vector<1024x1xi32> to vector<1024x64xi32>
    %eq3A_5 = arith.cmpi eq, %eq3A_4, %iota3A : vector<1024x64xi32>
    %convert_element_type3A_6 = arith.extui %eq3A_5 : vector<1024x64xi1> to vector<1024x64xi32>
    %convert_element_type3A_7 = arith.sitofp %convert_element_type3A_6 : vector<1024x64xi32> to vector<1024x64xf32>
    %get3A_8 = arith.constant 0 : index
    %get3A_9 = arith.constant 0 : index
    %get3A_10 = vector.load %arg10[%get3A_8, %get3A_9] : memref<64x128xf32, #tpu.memory_space<vmem>>, vector<64x128xf32>
    %get3A_11 = arith.constant 0 : index
    %get3A_12 = arith.constant 0 : index
    %get3A_13 = vector.load %arg1[%get3A_11, %get3A_12] : memref<1024x128xf32, #tpu.memory_space<vmem>>, vector<1024x128xf32>
    %dot_general3A = arith.constant dense<0.000000e+00> : vector<64x128xf32>
    %dot_general3A_14 = tpu.matmul %convert_element_type3A_7, %get3A_13, %dot_general3A {dimension_numbers = #tpu.dot_dimension_numbers<[0], [0], [1], [1], [0, 1, 1, 1], [], []>, transpose_lhs_hint = false} : vector<1024x64xf32>, vector<1024x128xf32>, vector<64x128xf32> -> vector<64x128xf32>
    %add3A = arith.addf %get3A_10, %dot_general3A_14 : vector<64x128xf32>
    %swap3A = arith.constant 0 : index
    %swap3A_15 = arith.constant 0 : index
    %swap3A_16 = vector.load %arg10[%swap3A, %swap3A_15] : memref<64x128xf32, #tpu.memory_space<vmem>>, vector<64x128xf32>
    tpu.vector_store %arg10[%swap3A, %swap3A_15], %add3A {strides = array<i32>} : memref<64x128xf32, #tpu.memory_space<vmem>>, vector<64x128xf32>,
    %get3A_17 = arith.constant 0 : index
    %get3A_18 = arith.constant 0 : index
    %get3A_19 = vector.load %arg11[%get3A_17, %get3A_18] : memref<1x64xf32, #tpu.memory_space<vmem>>, vector<1x64xf32>
    %reduce_sum3A = arith.constant dense<0.000000e+00> : vector<64xf32>
    %reduce_sum3A_20 = vector.multi_reduction <add>, %convert_element_type3A_7, %reduce_sum3A [0] : vector<1024x64xf32> to vector<64xf32>
    %broadcast_in_dim3A = vector.shape_cast %reduce_sum3A_20 : vector<64xf32> to vector<1x64xf32>
    %add3A_21 = arith.addf %get3A_19, %broadcast_in_dim3A : vector<1x64xf32>
    %swap3A_22 = arith.constant 0 : index
    %swap3A_23 = arith.constant 0 : index
    %swap3A_24 = vector.load %arg11[%swap3A_22, %swap3A_23] : memref<1x64xf32, #tpu.memory_space<vmem>>, vector<1x64xf32>
    tpu.vector_store %arg11[%swap3A_22, %swap3A_23], %add3A_21 {strides = array<i32>} : memref<1x64xf32, #tpu.memory_space<vmem>>, vector<1x64xf32>,
    %eq3A_25 = arith.constant 9 : i32
    %eq3A_26 = arith.cmpi eq, %arg0, %eq3A_25 : i32
    %convert_element_type3A_27 = arith.extui %eq3A_26 : i1 to i32
    %cond3A_28 = arith.constant 0 : i32
    %cond3A_29 = arith.cmpi ne, %convert_element_type3A_27, %cond3A_28 : i32
    scf.if %cond3A_29 {
      %get3A_30 = arith.constant 0 : index
      %get3A_31 = arith.constant 0 : index
      %get3A_32 = vector.load %arg10[%get3A_30, %get3A_31] : memref<64x128xf32, #tpu.memory_space<vmem>>, vector<64x128xf32>
      %get3A_33 = arith.constant 0 : index
      %get3A_34 = arith.constant 0 : index
      %get3A_35 = vector.load %arg11[%get3A_33, %get3A_34] : memref<1x64xf32, #tpu.memory_space<vmem>>, vector<1x64xf32>
      %max3A = arith.constant 1.000000e+00 : f32
      %max3A_36 = vector.broadcast %max3A : f32 to vector<1x64xf32>
      %max3A_37 = arith.maximumf %get3A_35, %max3A_36 : vector<1x64xf32>
      %transpose3A = tpu.transpose %max3A_37, [1, 0] : vector<1x64xf32> -> vector<64x1xf32>
      %div3A = vector.broadcast %transpose3A : vector<64x1xf32> to vector<64x128xf32>
      %div3A_38 = arith.divf %get3A_32, %div3A : vector<64x128xf32>
      %get3A_39 = arith.constant 0 : index
      %get3A_40 = arith.constant 0 : index
      %get3A_41 = vector.load %arg5[%get3A_39, %get3A_40] : memref<1x128xf32, #tpu.memory_space<vmem>>, vector<1x128xf32>
      %rsqrt3A = arith.constant 1.000010e+00 : f32
      %rsqrt3A_42 = math.rsqrt %rsqrt3A : f32
      %mul3A = vector.broadcast %rsqrt3A_42 : f32 to vector<1x128xf32>
      %mul3A_43 = arith.mulf %get3A_41, %mul3A : vector<1x128xf32>
      %get3A_44 = arith.constant 0 : index
      %get3A_45 = arith.constant 0 : index
      %get3A_46 = vector.load %arg3[%get3A_44, %get3A_45] : memref<128x128xf32, #tpu.memory_space<vmem>>, vector<128x128xf32>
      %dot_general3A_47 = arith.constant dense<0.000000e+00> : vector<64x128xf32>
      %dot_general3A_48 = tpu.matmul %div3A_38, %get3A_46, %dot_general3A_47 {dimension_numbers = #tpu.dot_dimension_numbers<[1], [0], [0], [1], [0, 0, 1, 1], [], []>, transpose_lhs_hint = false} : vector<64x128xf32>, vector<128x128xf32>, vector<64x128xf32> -> vector<64x128xf32>
      %get3A_49 = arith.constant 0 : index
      %get3A_50 = arith.constant 0 : index
      %get3A_51 = vector.load %arg4[%get3A_49, %get3A_50] : memref<1x128xf32, #tpu.memory_space<vmem>>, vector<1x128xf32>
      %add3A_52 = vector.broadcast %get3A_51 : vector<1x128xf32> to vector<64x128xf32>
      %add3A_53 = arith.addf %dot_general3A_48, %add3A_52 : vector<64x128xf32>
      %mul3A_54 = vector.broadcast %mul3A_43 : vector<1x128xf32> to vector<64x128xf32>
      %mul3A_55 = arith.mulf %mul3A_54, %add3A_53 : vector<64x128xf32>
      %get3A_56 = arith.constant 0 : index
      %get3A_57 = arith.constant 0 : index
      %get3A_58 = vector.load %arg6[%get3A_56, %get3A_57] : memref<1x128xf32, #tpu.memory_space<vmem>>, vector<1x128xf32>
      %add3A_59 = vector.broadcast %get3A_58 : vector<1x128xf32> to vector<64x128xf32>
      %add3A_60 = arith.addf %mul3A_55, %add3A_59 : vector<64x128xf32>
      %max3A_61 = arith.constant 0.000000e+00 : f32
      %max3A_62 = vector.broadcast %max3A_61 : f32 to vector<64x128xf32>
      %max3A_63 = arith.maximumf %add3A_60, %max3A_62 : vector<64x128xf32>
      %get3A_64 = arith.constant 0 : index
      %get3A_65 = arith.constant 0 : index
      %get3A_66 = vector.load %arg7[%get3A_64, %get3A_65] : memref<128x10xf32, #tpu.memory_space<vmem>>, vector<128x10xf32>
      %dot_general3A_67 = arith.constant dense<0.000000e+00> : vector<64x10xf32>
      %dot_general3A_68 = tpu.matmul %max3A_63, %get3A_66, %dot_general3A_67 {dimension_numbers = #tpu.dot_dimension_numbers<[1], [0], [0], [1], [0, 0, 1, 1], [], []>, transpose_lhs_hint = false} : vector<64x128xf32>, vector<128x10xf32>, vector<64x10xf32> -> vector<64x10xf32>
      %get3A_69 = arith.constant 0 : index
      %get3A_70 = arith.constant 0 : index
      %get3A_71 = vector.load %arg8[%get3A_69, %get3A_70] : memref<1x10xf32, #tpu.memory_space<vmem>>, vector<1x10xf32>
      %add3A_72 = vector.broadcast %get3A_71 : vector<1x10xf32> to vector<64x10xf32>
      %add3A_73 = arith.addf %dot_general3A_68, %add3A_72 : vector<64x10xf32>
      %swap3A_74 = arith.constant 0 : index
      %swap3A_75 = arith.constant 0 : index
      %swap3A_76 = vector.load %arg9[%swap3A_74, %swap3A_75] : memref<64x10xf32, #tpu.memory_space<vmem>>, vector<64x10xf32>
      tpu.vector_store %arg9[%swap3A_74, %swap3A_75], %add3A_73 {strides = array<i32>} : memref<64x10xf32, #tpu.memory_space<vmem>>, vector<64x10xf32>,
    } else {
    }
    return
  }
  func.func @transform_0(%arg0: i32) -> (i32, i32) {
    %c0_i32 = arith.constant 0 : i32
    %c0_i32_0 = arith.constant 0 : i32
    return %arg0, %c0_i32 : i32, i32
  }
  func.func @transform_1(%arg0: i32) -> (i32, i32) {
    %c0_i32 = arith.constant 0 : i32
    %c0_i32_0 = arith.constant 0 : i32
    return %arg0, %c0_i32 : i32, i32
  }
  func.func @transform_2(%arg0: i32) -> (i32, i32) {
    %c0_i32 = arith.constant 0 : i32
    %c0_i32_0 = arith.constant 0 : i32
    %c0_i32_1 = arith.constant 0 : i32
    return %c0_i32, %c0_i32_0 : i32, i32
  }
  func.func @transform_3(%arg0: i32) -> (i32, i32) {
    %c0_i32 = arith.constant 0 : i32
    %c0_i32_0 = arith.constant 0 : i32
    %c0_i32_1 = arith.constant 0 : i32
    return %c0_i32, %c0_i32_0 : i32, i32
  }
  func.func @transform_4(%arg0: i32) -> (i32, i32) {
    %c0_i32 = arith.constant 0 : i32
    %c0_i32_0 = arith.constant 0 : i32
    %c0_i32_1 = arith.constant 0 : i32
    return %c0_i32, %c0_i32_0 : i32, i32
  }
  func.func @transform_5(%arg0: i32) -> (i32, i32) {
    %c0_i32 = arith.constant 0 : i32
    %c0_i32_0 = arith.constant 0 : i32
    %c0_i32_1 = arith.constant 0 : i32
    return %c0_i32, %c0_i32_0 : i32, i32
  }
  func.func @transform_6(%arg0: i32) -> (i32, i32) {
    %c0_i32 = arith.constant 0 : i32
    %c0_i32_0 = arith.constant 0 : i32
    %c0_i32_1 = arith.constant 0 : i32
    return %c0_i32, %c0_i32_0 : i32, i32
  }
  func.func @transform_7(%arg0: i32) -> (i32, i32) {
    %c0_i32 = arith.constant 0 : i32
    %c0_i32_0 = arith.constant 0 : i32
    %c0_i32_1 = arith.constant 0 : i32
    return %c0_i32, %c0_i32_0 : i32, i32
  }
  func.func @transform_8(%arg0: i32) -> (i32, i32) {
    %c0_i32 = arith.constant 0 : i32
    %c0_i32_0 = arith.constant 0 : i32
    %c0_i32_1 = arith.constant 0 : i32
    return %c0_i32, %c0_i32_0 : i32, i32
  }
}

</mosaic_0001>

<sc_bundles>
// kernel: kernel.14.cloned.1.call-start
scs
__scs_entry_jumppad:
0x0: {  	(pc) =	sbr.rel $0x88, $3  }
0x1: {  	(tag) =	ssettag $0x0;
	lr =	simm.s32 $0x1  }
0x2: {  	[smem:$0x3F8C] =	sst lr;
	_ =	strace $0xD0000000  }
0x3: {  	_ = 	snop  }
0x4: {  	_ = 	snop  }
0x5: {  	_ = 	snop  }
0x6: {  	_ = 	snop  }
0x7: {  	_ = 	snop  }
__scs_overlays_trampoline_lowered:
0x8: {  	[smem:$0x3F9B] =	sst s0  }
0x9: {  	[smem:$0x3F9C] =	sst s1  }
0xa: {  	[smem:$0x3F9D] =	sst s2  }
0xb: {  	[smem:$0x3F9E] =	sst s3  }
0xc: {  	[smem:$0x3F9F] =	sst s4  }
0xd: {  	[smem:$0x3FA0] =	sst s5  }
0xe: {  	[smem:$0x3FA1] =	sst s6  }
0xf: {  	[smem:$0x3FA2] =	sst s7  }
0x10: {  	[smem:$0x3FA3] =	sst s8  }
0x11: {  	[smem:$0x3FA4] =	sst s9;
	s0 =	simm.s32 @!p0 $0x0  }
0x12: {  	s1 =	sld [smem:$0x3F8A];
	s0 =	simm.s32 @p0 $0x1  }
0x13: {  	[smem:$0x3FA5] =	sst s0;
	s0 =	simm.s32 @!p1 $0x0  }
0x14: {  	s2 =	sld [smem:$0x3F89];
	s0 =	simm.s32 @p1 $0x1  }
0x15: {  	[smem:$0x3FA6] =	sst s0;
	s0 =	simm.s32 @!p2 $0x0  }
0x16: {  	s3 =	sld [smem:$0x3FDB];
	s0 =	simm.s32 @p2 $0x1  }
0x17: {  	s4 =	simm.s32 $0x1BF5;
	[smem:$0x3FA8] =	sst s0  }
0x18: {  	s0 =	sld [smem:$0x3F8B];
	_ =	swait.ge [sflag:s4], $0x0  }
0x19: {  	s7 =	sld [smem:$0x3F8C]  }
0x1a: {  	s8 =	sadd.s32 $0xFFFFE003, lr  }
0x1b: {  	s9 =	sadd.s32 $0xFFFFFEF7, lr;
	s5 =	simm.s32 $0xFFFFFFFF;
	p2 =	slt.u32 s8, $0xFFFFF086  }
0x1c: {  	p1 =	slt.u32 s9, $0xF7A;
	s5 =	simm.s32 @!p2 $0x0  }
0x1d: {  	s5 =	simm.s32 @p1 $0x1;
	p0 =	seq.s32 s7, s2  }
0x1e: {  	s7 =	smul.u32 @!p0 $0xF7A, s2;
	p2 =	seq.s32 @!p0 s5, $0x0  }
0x1f: {  	s9 =	smul.u32 $0xF7A, s1;
	s8 =	simm.s32 @!p0 $0x1BF5;
	p2 =	por !p2, p0  }
0x20: {  	[sflag:s8] =	ssyncset.s32 @!p0 $0xFFFFF086;
	s6 =	sadd.s32 @!p0 s3, s7;
	s7 =	simm.s32 @!p0 $0x108  }
0x21: {  	s3 =	sadd.s32 s3, s9;
	s6 =	sadd.s32 @!p0 $0x88, s6;
	s7 =	simm.s32 @p2 $0x1082  }
0x22: {  	[simem:s7], [sflag:s8] =	dma.local @!p0 [hbm:s6], $0xF7A  }
0x23: {  	s9 =	sor.u32 $0xD0000000, s2;
	s6 =	simm.s32 $0x108;
	_ =	swait.ge @!p0 [sflag:s8], $0x0  }
0x24: {  	s3 =	sadd.s32 $0x88, s3;
	s6 =	simm.s32 @!p1 $0x1082;
	[sflag:s4] =	ssyncset.s32 $0xFFFFF086  }
0x25: {  	[simem:s6], [sflag:s4] =	dma.local [hbm:s3], $0xF7A  }
0x26: {  	[smem:$0x3F8C] =	sst s1;
	(tag) =	ssettag s2;
	_ =	strace s9  }
0x27: {  	s1 =	sld [smem:$0x3F9C]  }
0x28: {  	s2 =	sld [smem:$0x3F9D]  }
0x29: {  	s4 =	sld [smem:$0x3F9F]  }
0x2a: {  	p0 =	seq.s32 s5, $0x0;
	s5 =	sld [smem:$0x3FA0]  }
0x2b: {  	s6 =	sld [smem:$0x3FA1]  }
0x2c: {  	s7 =	sld [smem:$0x3FA2]  }
0x2d: {  	s3 =	simm.s32 $0x108;
	s8 =	sld [smem:$0x3FA3]  }
0x2e: {  	s3 =	simm.s32 @!p0 $0x1082;
	s9 =	sld [smem:$0x3FA4]  }
0x2f: {  	lr =	sadd.s32 s0, s3;
	s0 =	sld [smem:$0x3F9B]  }
0x30: {  	s3 =	sld [smem:$0x3F9E]  }
0x31: {  	[smem:$0x3FA7] =	sst s10  }
0x32: {  	s10 =	sld [smem:$0x3FA5];
	_ =	sdelay $0x3  }
0x33: {  	p0 =	seq.s32 s10, $0x1;
	s10 =	sld [smem:$0x3FA7];
	_ =	sdelay $0x3  }
0x34: {  	[smem:$0x3FA7] =	sst s10  }
0x35: {  	s10 =	sld [smem:$0x3FA6];
	_ =	sdelay $0x3  }
0x36: {  	p1 =	seq.s32 s10, $0x1;
	s10 =	sld [smem:$0x3FA7];
	_ =	sdelay $0x3  }
0x37: {  	[smem:$0x3FA7] =	sst s10  }
0x38: {  	s10 =	sld [smem:$0x3FA8]  }
0x39: {  	_ = 	snop;
	(pc) =	sbr.ind lr, $3  }
0x3a: {  	_ = 	snop  }
0x3b: {  	_ = 	snop  }
0x3c: {  	p2 =	seq.s32 s10, $0x1;
	s10 =	sld [smem:$0x3FA7]  }
0x3d: {  	_ =	shalt  }
0x3e: {  	_ =	shalt  }
0x3f: {  	_ =	shalt  }
0x40: {  	_ =	shalt  }
0x41: {  	_ =	shalt  }
0x42: {  	_ =	shalt  }
0x43: {  	_ =	shalt  }
0x44: {  	_ =	shalt  }
0x45: {  	_ =	shalt  }
0x46: {  	_ =	shalt  }
0x47: {  	_ =	shalt  }
0x48: {  	_ =	shalt  }
0x49: {  	_ =	shalt  }
0x4a: {  	_ =	shalt  }
0x4b: {  	_ =	shalt  }
0x4c: {  	_ =	shalt  }
0x4d: {  	_ =	shalt  }
0x4e: {  	_ =	shalt  }
0x4f: {  	_ =	shalt  }
0x50: {  	_ =	shalt  }
0x51: {  	_ =	shalt  }
0x52: {  	_ =	shalt  }
0x53: {  	_ =	shalt  }
0x54: {  	_ =	shalt  }
0x55: {  	_ =	shalt  }
0x56: {  	_ =	shalt  }
0x57: {  	_ =	shalt  }
0x58: {  	_ =	shalt  }
0x59: {  	_ =	shalt  }
0x5a: {  	_ =	shalt  }
0x5b: {  	_ =	shalt  }
0x5c: {  	_ =	shalt  }
0x5d: {  	_ =	shalt  }
0x5e: {  	_ =	shalt  }
0x5f: {  	_ =	shalt  }
0x60: {  	_ =	shalt  }
0x61: {  	_ =	shalt  }
0x62: {  	_ =	shalt  }
0x63: {  	_ =	shalt  }
0x64: {  	_ =	shalt  }
0x65: {  	_ =	shalt  }
0x66: {  	_ =	shalt  }
0x67: {  	_ =	shalt  }
0x68: {  	_ =	shalt  }
0x69: {  	_ =	shalt  }
0x6a: {  	_ =	shalt  }
0x6b: {  	_ =	shalt  }
0x6c: {  	_ =	shalt  }
0x6d: {  	_ =	shalt  }
0x6e: {  	_ =	shalt  }
0x6f: {  	_ =	shalt  }
0x70: {  	_ =	shalt  }
0x71: {  	_ =	shalt  }
0x72: {  	_ =	shalt  }
0x73: {  	_ =	shalt  }
0x74: {  	_ =	shalt  }
0x75: {  	_ =	shalt  }
0x76: {  	_ =	shalt  }
0x77: {  	_ =	shalt  }
0x78: {  	_ =	shalt  }
0x79: {  	_ =	shalt  }
0x7a: {  	_ =	shalt  }
0x7b: {  	_ =	shalt  }
0x7c: {  	_ =	shalt  }
0x7d: {  	_ =	shalt  }
0x7e: {  	_ =	shalt  }
0x7f: {  	_ =	shalt  }
0x80: {  	_ =	shalt  }
0x81: {  	_ =	shalt  }
0x82: {  	_ =	shalt  }
0x83: {  	_ =	shalt  }
0x84: {  	_ =	shalt  }
0x85: {  	_ =	shalt  }
0x86: {  	_ =	shalt  }
0x87: {  	_ =	shalt  }
.Lfunc_end0:
.L_simem_size_0:
called_computation_lowered:
.L_overlay_start_0:
0x88: {  	s2 =	sld [smem:$0x3FD9]  }
0x89: {  	s3 =	sld [smem:$0x3FFE];
	_ =	sdelay $0x1  }
0x8a: {  	s1 =	srdreg.scid  }
0x8b: {  	s0 =	sand.u32 $0x1, s1  }
0x8c: {  	s16 =	sshll.u32 s0, $0xA;
	s2 =	sadd.s32 s3, s2  }
0x8d: {  	s2 =	sadd.s32 s2, s16  }
0x8e: {  	[smem:$0x3FB3] =	sst s2  }
0x8f: {  	_ = 	snop  }
0x90: {  	(tm) =	ssettm $0x1  }
0x91: {  	s17 =	sld [smem:$0x3FFB];
	_ =	sdelay $0x3  }
0x92: {  	_ =	strace s17  }
0x93: {  	s2 =	sld [smem:$0x3FFC];
	_ =	sdelay $0x3  }
0x94: {  	_ =	strace s2  }
0x95: {  	s2 =	sld [smem:$0x3FFD];
	_ =	sdelay $0x3  }
0x96: {  	_ =	strace s2  }
0x97: {  	_ =	strace $0x8FFFFFFF  }
0x98: {  	s18 =	sld [smem:$0x3FDB];
	_ =	sdelay $0x1  }
0x99: {  	s19 =	simm.s32 $_scs_section_size  }
0x9a: {  	s4 =	simm.s32 $_size__tile_overlayer_lowered;
	s5 =	simm.s32 $_tile_overlayer_lowered  }
0x9b: {  	s22 =	simm.s32 $0x1BFF;
	s21 =	sshll.u32 s5, $0x1;
	s2 =	sadd.s32 s19, s18  }
0x9c: {  	s6 =	simm.s32 $0x0;
	s20 =	sshll.u32 s4, $0x1;
	s4 =	sadd.s32 s21, s2  }
0x9d: {  	[timem:s6], [sflag:s22] =	dma.local [hbm:s4], s20  }
0x9e: {  	_ =	swait.ge [sflag:s22], s20  }
0x9f: {  	s3 =	ssub.s32 $0x0, s20;
	[sflag:s22] =	ssyncset.done $0x0  }
0xa0: {  	[sflag:s22] =	ssyncadd.s32 s3;
	_ =	sdelay $0x1  }
0xa1: {  	s23 =	simm.s32 $0x1B8B  }
0xa2: {  	_ =	swait.ge [sflag:s23], $0x1  }
0xa3: {  	[sflag:s23] =	ssyncset.done $0x0  }
0xa4: {  	s25 =	simm.s32 $0x1B8E;
	s24 =	sld [smem:$0x3FFE];
	[sflag:s23] =	ssyncadd.s32 $0xFFFFFFFF  }
0xa5: {  	s26 =	simm.s32 $execute0_lowered;
	[smem:$0x3FD2] =	sst s25  }
0xa6: {  	s4 =	sshll.u32 s26, $0x1;
	_ =	strace $0x80000046;
	[dreg:$0x1] =	wrdreg $0xFFFFFFFF  }
0xa7: {  	s28 =	simm.s32 $_size_execute0_lowered;
	s2 =	sadd.s32 s2, s4;
	[dreg:$0x0] =	wrdreg $0x0  }
0xa8: {  	s4 =	sshll.u32 s28, $0x1;
	[dreg:$0x2] =	wrdreg s2  }
0xa9: {  	[dreg:$0x3] =	wrdreg s4  }
0xaa: {  	[dreg:$0x4] =	wrdreg $0xC0  }
0xab: {  	_ =	task [dreg:s6], $0x5FFFF  }
0xac: {  	[dreg:$0x1] =	wrdreg $0xFFFFFFFF  }
0xad: {  	[dreg:$0x0] =	wrdreg $0x60  }
0xae: {  	[dreg:$0x2] =	wrdreg s24  }
0xaf: {  	[dreg:$0x3] =	wrdreg $0x9  }
0xb0: {  	_ =	task.clear_ibuf [dreg:s6], $0x4FFFF;
	_ =	strace $0x90000046  }
0xb1: {  	s29 =	simm.s32 $0x9;
	_ =	strace $0x80000048  }
0xb2: {  	_ =	swait.ge [sflag:s29], $0x1  }
0xb3: {  	[sflag:s29] =	ssyncadd.s32 $0xFFFFFFFF  }
0xb4: {  	_ =	strace $0x90000048  }
0xb5: {  	_ =	sfence  }
0xb6: {  	s30 =	sld [smem:$0x0];
	_ =	sdelay $0x2  }
0xb7: {  	s31 =	sshll.u32 s1, $0xD;
	s1 =	sshrl.u32 s1, $0x2  }
0xb8: {  	s3 =	sand.u32 $0x4000, s31;
	s1 =	sadd.s32 s1, s30  }
0xb9: {  	s0 =	sor.u32 s3, s0;
	s1 =	sshll.u32 s1, $0x11  }
0xba: {  	s0 =	sor.u32 s1, s0  }
0xbb: {  	s0 =	sadd.s32 $0x8F2B, s0  }
0xbc: {  	[sflag:s0] =	ssyncadd.remote.s32 $0x1  }
0xbd: {  	_ =	sfence.sel $0xFFFF  }
0xbe: {  	[dreg:$0x0] =	wrdreg $0xFFFFFFFF;
	(pc) =	sbr.abs _section_cstart, $3  }
0xbf: {  	[dreg:$0x1] =	wrdreg $0xFFFFFFFF  }
0xc0: {  	_ =	task.clear_ibuf [dreg:s6], $0x2FFFF;
	_ =	strace $0x9FFFFFFF  }
0xc1: {  	(tm) =	ssettm $0x7FFFFFFF  }
tec
execute0_lowered:
.L_overlay_start_1:
0x0: {  	(tag) =	ssettag $0x1  }
0x1: {  	s0 =	srdreg.scid  }
0x2: {  	s3 =	sand.u32 $0x1, s0  }
0x3: {  	s0 =	stileid.u32;
	s1 =	sshll.u32 s3, $0x4  }
0x4: {  	s4 =	rddreg [dreg:$0x0];
	s2 =	simm.s32 $0x0;
	s5 =	sor.u32 s0, s1  }
0x5: {  	s9 =	simm.s32 $0x400;
	s10 =	simm.s32 $0x0;
	s6 =	sshrl.u32 s5, $0x3  }
0x6: {  	[smem:$0x7FF] =	sst s2;
	s7 =	sshll.u32 s0, $0x7;
	s6 =	smul.u32 $0x14000, s6  }
0x7: {  	s31 =	ssub.s32 $0x2, s3;
	s3 =	sadd.s32 $0x4400, s4;
	s7 =	sand.u32 $0x380, s7  }
0x8: {  	s1 =	rddreg [dreg:$0x1];
	s8 =	sshrl.u32 s31, $0x1;
	s6 =	sor.u32 s7, s6  }
0x9: {  	_ =	strace $0x80000047;
	s7 =	ssub.s32 s31, s8;
	s6 =	sshrl.u32 s6, $0x3  }
0xa: {  	s8 =	simm.s32 $0x80;
	s6 =	sadd.s32 s6, s4;
	s4 =	smul.u32 $0x2800, s5  }
0xb: {  	v0 =	vimm.f32 $0.0e+00;
	v1 =	vimm.f32 $1.000000000e+00;
	s5 =	sadd.s32 $0xE400, s6;
	s6 =	smax.u32 s7, $0x1;
	s7 =	simm.s32 $0x1  }
.LBB2_1:
0xc: {  	s11 =	simm.s32 $0x0  }
.LBB2_2:
0xd: {  	p0 =	sne.s32 s11, $0x9FC0  }
.Ltmp0:
0xe: {  	_ = 	snop;
	(pc) =	sbr.rel @p0 .LBB2_2-.Ltmp0, $3  }
0xf: {  	_ =	sdelay $0x1  }
0x10: {  	s12 =	sshra.s32 s11, $0x2  }
0x11: {  	s11 =	sadd.s32 $0x40, s11;
	[tilespmem:s12+$0x80] =	vst v0  }
0x12: {  	s11 =	simm.s32 $0x0  }
.LBB2_4:
0x13: {  	s12 =	sand.u32 $0x3C00, s11  }
0x14: {  	s13 =	sand.u32 $0x380, s11;
	s12 =	sadd.s32 s4, s12  }
0x15: {  	s12 =	sor.u32 s13, s12  }
0x16: {  	s12 =	sshrl.u32 s12, $0x3  }
0x17: {  	s12 =	sadd.s32 s3, s12  }
0x18: {  	[tilespmem:s2], [sflag:$0x1] =	stream.linear.gather [hbm4b:s12+s2], $0x80, $0x38;
	[tilespmem:$0x2880] =	vst v63  }
0x19: {  	_ =	swait.ge [sflag:s7], $0x80  }
0x1a: {  	[sflag:s7] =	ssyncset.done $0x0  }
0x1b: {  	[sflag:s7] =	ssyncadd.s32 $0xFFFFFF80  }
0x1c: {  	v2 =	vld [tilespmem:$0x0];
	_ =	sdelay $0x7  }
0x1d: {  	[tilespmem:v2+s8+$0x0] =	vst.idx.add.f32.msk $0xffff, v1  }
0x1e: {  	v2 =	vld [tilespmem:$0x10];
	_ =	sdelay $0x7  }
0x1f: {  	[tilespmem:v2+s8+$0x0] =	vst.idx.add.f32.msk $0xffff, v1  }
0x20: {  	v2 =	vld [tilespmem:$0x20];
	_ =	sdelay $0x7  }
0x21: {  	[tilespmem:v2+s8+$0x0] =	vst.idx.add.f32.msk $0xffff, v1  }
0x22: {  	v2 =	vld [tilespmem:$0x30];
	_ =	sdelay $0x7  }
0x23: {  	[tilespmem:v2+s8+$0x0] =	vst.idx.add.f32.msk $0xffff, v1  }
0x24: {  	v2 =	vld [tilespmem:$0x40];
	_ =	sdelay $0x7  }
0x25: {  	[tilespmem:v2+s8+$0x0] =	vst.idx.add.f32.msk $0xffff, v1  }
0x26: {  	v2 =	vld [tilespmem:$0x50];
	_ =	sdelay $0x7  }
0x27: {  	[tilespmem:v2+s8+$0x0] =	vst.idx.add.f32.msk $0xffff, v1  }
0x28: {  	v2 =	vld [tilespmem:$0x60];
	_ =	sdelay $0x7  }
0x29: {  	[tilespmem:v2+s8+$0x0] =	vst.idx.add.f32.msk $0xffff, v1  }
0x2a: {  	v2 =	vld [tilespmem:$0x70];
	_ =	sdelay $0x2  }
0x2b: {  	p0 =	sne.s32 s11, $0x2700  }
.Ltmp1:
0x2c: {  	_ = 	snop;
	(pc) =	sbr.rel @p0 .LBB2_4-.Ltmp1, $2  }
0x2d: {  	_ =	sdelay $0x2  }
0x2e: {  	s11 =	sadd.s32 $0x80, s11;
	[tilespmem:v2+s8+$0x0] =	vst.idx.add.f32.msk $0xffff, v1  }
0x2f: {  	s10 =	sadd.s32 $0x1, s10  }
0x30: {  	p0 =	sne.s32 s10, s6  }
.Ltmp2:
0x31: {  	_ = 	snop;
	(pc) =	sbr.rel @p0 .LBB2_1-.Ltmp2, $4  }
0x32: {  	[hbm4b:s5+s8] =	stream.strided.scatter [tilespmem:s8], [sflag:$0x1], $0x2800, s9, s8, $0x38;
	[tilespmem:$0x2880] =	vst v63  }
0x33: {  	_ =	swait.ge [sflag:s7], $0x2800  }
0x34: {  	[sflag:s7] =	ssyncset.done $0x0  }
0x35: {  	[sflag:s7] =	ssyncadd.s32 $0xFFFFD800  }
0x36: {  	_ =	sfence.sel $0x180000  }
0x37: {  	[bflag:$0x0] =	sbarrier.arrive $0xFFFF  }
0x38: {  	p0 =	sne.s32 s0, $0x0;
	_ =	strace $0x90000047  }
0x39: {  	s0 =	sadd.s32 @!p0 $0x100000, s1;
	[bflag:$0x2] =	sbarrier.arrive $0xFFFF  }
0x3a: {  	[sflag:s0] =	ssyncadd.tile.s32 @!p0 $0x1;
	_ =	shalt  }
.Lfunc_end2:
_tile_overlayer_lowered:
.L_overlay_start_2:
0x3b: {  	(tag) =	ssettag $0x2  }
0x3c: {  	s0 =	rddreg [dreg:$0x0];
	s2 =	stileid.u32  }
0x3d: {  	s1 =	rddreg [dreg:$0x1];
	p0 =	sne.s32 s2, $0x0  }
0x3e: {  	s3 =	rddreg [dreg:$0x2];
	[bflag:$0x3] =	sbarrier.arrive $0xFFFF;
	s2 =	simm.s32 @!p0 $0x1C01  }
0x3f: {  	[timem:s3], [sflag:s2] =	dma.local @!p0 [hbm:s0], s1  }
0x40: {  	s0 =	simm.s32 @!p0 $0x1  }
0x41: {  	_ =	swait.ge @!p0 [sflag:s0], s1  }
0x42: {  	s1 =	ssub.s32 @!p0 $0x0, s1;
	[sflag:s0] =	ssyncset.done @!p0 $0x0  }
0x43: {  	[sflag:s0] =	ssyncadd.s32 @!p0 s1  }
0x44: {  	[bflag:$0x3] =	sbarrier.arrive $0xFFFF  }
0x45: {  	_ =	shalt  }

// kernel: kernel.17.cloned.1.call-start
scs
__scs_entry_jumppad:
0x0: {  	(pc) =	sbr.rel $0x88, $3  }
0x1: {  	(tag) =	ssettag $0x0;
	lr =	simm.s32 $0x1  }
0x2: {  	[smem:$0x3F8C] =	sst lr;
	_ =	strace $0xD0000000  }
0x3: {  	_ = 	snop  }
0x4: {  	_ = 	snop  }
0x5: {  	_ = 	snop  }
0x6: {  	_ = 	snop  }
0x7: {  	_ = 	snop  }
__scs_overlays_trampoline_lowered:
0x8: {  	[smem:$0x3F9B] =	sst s0  }
0x9: {  	[smem:$0x3F9C] =	sst s1  }
0xa: {  	[smem:$0x3F9D] =	sst s2  }
0xb: {  	[smem:$0x3F9E] =	sst s3  }
0xc: {  	[smem:$0x3F9F] =	sst s4  }
0xd: {  	[smem:$0x3FA0] =	sst s5  }
0xe: {  	[smem:$0x3FA1] =	sst s6  }
0xf: {  	[smem:$0x3FA2] =	sst s7  }
0x10: {  	[smem:$0x3FA3] =	sst s8  }
0x11: {  	[smem:$0x3FA4] =	sst s9;
	s0 =	simm.s32 @!p0 $0x0  }
0x12: {  	s1 =	sld [smem:$0x3F8A];
	s0 =	simm.s32 @p0 $0x1  }
0x13: {  	[smem:$0x3FA5] =	sst s0;
	s0 =	simm.s32 @!p1 $0x0  }
0x14: {  	s2 =	sld [smem:$0x3F89];
	s0 =	simm.s32 @p1 $0x1  }
0x15: {  	[smem:$0x3FA6] =	sst s0;
	s0 =	simm.s32 @!p2 $0x0  }
0x16: {  	s3 =	sld [smem:$0x3FDB];
	s0 =	simm.s32 @p2 $0x1  }
0x17: {  	s4 =	simm.s32 $0x1BF5;
	[smem:$0x3FA8] =	sst s0  }
0x18: {  	s0 =	sld [smem:$0x3F8B];
	_ =	swait.ge [sflag:s4], $0x0  }
0x19: {  	s7 =	sld [smem:$0x3F8C]  }
0x1a: {  	s8 =	sadd.s32 $0xFFFFE003, lr  }
0x1b: {  	s9 =	sadd.s32 $0xFFFFFEF7, lr;
	s5 =	simm.s32 $0xFFFFFFFF;
	p2 =	slt.u32 s8, $0xFFFFF086  }
0x1c: {  	p1 =	slt.u32 s9, $0xF7A;
	s5 =	simm.s32 @!p2 $0x0  }
0x1d: {  	s5 =	simm.s32 @p1 $0x1;
	p0 =	seq.s32 s7, s2  }
0x1e: {  	s7 =	smul.u32 @!p0 $0xF7A, s2;
	p2 =	seq.s32 @!p0 s5, $0x0  }
0x1f: {  	s9 =	smul.u32 $0xF7A, s1;
	s8 =	simm.s32 @!p0 $0x1BF5;
	p2 =	por !p2, p0  }
0x20: {  	[sflag:s8] =	ssyncset.s32 @!p0 $0xFFFFF086;
	s6 =	sadd.s32 @!p0 s3, s7;
	s7 =	simm.s32 @!p0 $0x108  }
0x21: {  	s3 =	sadd.s32 s3, s9;
	s6 =	sadd.s32 @!p0 $0x88, s6;
	s7 =	simm.s32 @p2 $0x1082  }
0x22: {  	[simem:s7], [sflag:s8] =	dma.local @!p0 [hbm:s6], $0xF7A  }
0x23: {  	s9 =	sor.u32 $0xD0000000, s2;
	s6 =	simm.s32 $0x108;
	_ =	swait.ge @!p0 [sflag:s8], $0x0  }
0x24: {  	s3 =	sadd.s32 $0x88, s3;
	s6 =	simm.s32 @!p1 $0x1082;
	[sflag:s4] =	ssyncset.s32 $0xFFFFF086  }
0x25: {  	[simem:s6], [sflag:s4] =	dma.local [hbm:s3], $0xF7A  }
0x26: {  	[smem:$0x3F8C] =	sst s1;
	(tag) =	ssettag s2;
	_ =	strace s9  }
0x27: {  	s1 =	sld [smem:$0x3F9C]  }
0x28: {  	s2 =	sld [smem:$0x3F9D]  }
0x29: {  	s4 =	sld [smem:$0x3F9F]  }
0x2a: {  	p0 =	seq.s32 s5, $0x0;
	s5 =	sld [smem:$0x3FA0]  }
0x2b: {  	s6 =	sld [smem:$0x3FA1]  }
0x2c: {  	s7 =	sld [smem:$0x3FA2]  }
0x2d: {  	s3 =	simm.s32 $0x108;
	s8 =	sld [smem:$0x3FA3]  }
0x2e: {  	s3 =	simm.s32 @!p0 $0x1082;
	s9 =	sld [smem:$0x3FA4]  }
0x2f: {  	lr =	sadd.s32 s0, s3;
	s0 =	sld [smem:$0x3F9B]  }
0x30: {  	s3 =	sld [smem:$0x3F9E]  }
0x31: {  	[smem:$0x3FA7] =	sst s10  }
0x32: {  	s10 =	sld [smem:$0x3FA5];
	_ =	sdelay $0x3  }
0x33: {  	p0 =	seq.s32 s10, $0x1;
	s10 =	sld [smem:$0x3FA7];
	_ =	sdelay $0x3  }
0x34: {  	[smem:$0x3FA7] =	sst s10  }
0x35: {  	s10 =	sld [smem:$0x3FA6];
	_ =	sdelay $0x3  }
0x36: {  	p1 =	seq.s32 s10, $0x1;
	s10 =	sld [smem:$0x3FA7];
	_ =	sdelay $0x3  }
0x37: {  	[smem:$0x3FA7] =	sst s10  }
0x38: {  	s10 =	sld [smem:$0x3FA8]  }
0x39: {  	_ = 	snop;
	(pc) =	sbr.ind lr, $3  }
0x3a: {  	_ = 	snop  }
0x3b: {  	_ = 	snop  }
0x3c: {  	p2 =	seq.s32 s10, $0x1;
	s10 =	sld [smem:$0x3FA7]  }
0x3d: {  	_ =	shalt  }
0x3e: {  	_ =	shalt  }
0x3f: {  	_ =	shalt  }
0x40: {  	_ =	shalt  }
0x41: {  	_ =	shalt  }
0x42: {  	_ =	shalt  }
0x43: {  	_ =	shalt  }
0x44: {  	_ =	shalt  }
0x45: {  	_ =	shalt  }
0x46: {  	_ =	shalt  }
0x47: {  	_ =	shalt  }
0x48: {  	_ =	shalt  }
0x49: {  	_ =	shalt  }
0x4a: {  	_ =	shalt  }
0x4b: {  	_ =	shalt  }
0x4c: {  	_ =	shalt  }
0x4d: {  	_ =	shalt  }
0x4e: {  	_ =	shalt  }
0x4f: {  	_ =	shalt  }
0x50: {  	_ =	shalt  }
0x51: {  	_ =	shalt  }
0x52: {  	_ =	shalt  }
0x53: {  	_ =	shalt  }
0x54: {  	_ =	shalt  }
0x55: {  	_ =	shalt  }
0x56: {  	_ =	shalt  }
0x57: {  	_ =	shalt  }
0x58: {  	_ =	shalt  }
0x59: {  	_ =	shalt  }
0x5a: {  	_ =	shalt  }
0x5b: {  	_ =	shalt  }
0x5c: {  	_ =	shalt  }
0x5d: {  	_ =	shalt  }
0x5e: {  	_ =	shalt  }
0x5f: {  	_ =	shalt  }
0x60: {  	_ =	shalt  }
0x61: {  	_ =	shalt  }
0x62: {  	_ =	shalt  }
0x63: {  	_ =	shalt  }
0x64: {  	_ =	shalt  }
0x65: {  	_ =	shalt  }
0x66: {  	_ =	shalt  }
0x67: {  	_ =	shalt  }
0x68: {  	_ =	shalt  }
0x69: {  	_ =	shalt  }
0x6a: {  	_ =	shalt  }
0x6b: {  	_ =	shalt  }
0x6c: {  	_ =	shalt  }
0x6d: {  	_ =	shalt  }
0x6e: {  	_ =	shalt  }
0x6f: {  	_ =	shalt  }
0x70: {  	_ =	shalt  }
0x71: {  	_ =	shalt  }
0x72: {  	_ =	shalt  }
0x73: {  	_ =	shalt  }
0x74: {  	_ =	shalt  }
0x75: {  	_ =	shalt  }
0x76: {  	_ =	shalt  }
0x77: {  	_ =	shalt  }
0x78: {  	_ =	shalt  }
0x79: {  	_ =	shalt  }
0x7a: {  	_ =	shalt  }
0x7b: {  	_ =	shalt  }
0x7c: {  	_ =	shalt  }
0x7d: {  	_ =	shalt  }
0x7e: {  	_ =	shalt  }
0x7f: {  	_ =	shalt  }
0x80: {  	_ =	shalt  }
0x81: {  	_ =	shalt  }
0x82: {  	_ =	shalt  }
0x83: {  	_ =	shalt  }
0x84: {  	_ =	shalt  }
0x85: {  	_ =	shalt  }
0x86: {  	_ =	shalt  }
0x87: {  	_ =	shalt  }
.Lfunc_end0:
.L_simem_size_0:
called_computation.1_lowered:
.L_overlay_start_0:
0x88: {  	s2 =	sld [smem:$0x3FD9]  }
0x89: {  	s3 =	sld [smem:$0x3FFE];
	_ =	sdelay $0x1  }
0x8a: {  	s1 =	srdreg.scid  }
0x8b: {  	s0 =	sand.u32 $0x1, s1  }
0x8c: {  	s16 =	sshll.u32 s0, $0xA;
	s2 =	sadd.s32 s3, s2  }
0x8d: {  	s2 =	sadd.s32 s2, s16  }
0x8e: {  	[smem:$0x3FB3] =	sst s2  }
0x8f: {  	_ = 	snop  }
0x90: {  	(tm) =	ssettm $0x1  }
0x91: {  	s17 =	sld [smem:$0x3FFB];
	_ =	sdelay $0x3  }
0x92: {  	_ =	strace s17  }
0x93: {  	s2 =	sld [smem:$0x3FFC];
	_ =	sdelay $0x3  }
0x94: {  	_ =	strace s2  }
0x95: {  	s2 =	sld [smem:$0x3FFD];
	_ =	sdelay $0x3  }
0x96: {  	_ =	strace s2  }
0x97: {  	_ =	strace $0x8FFFFFFF  }
0x98: {  	s18 =	sld [smem:$0x3FDB];
	_ =	sdelay $0x1  }
0x99: {  	s19 =	simm.s32 $_scs_section_size  }
0x9a: {  	s4 =	simm.s32 $_size__tile_overlayer_lowered;
	s5 =	simm.s32 $_tile_overlayer_lowered  }
0x9b: {  	s22 =	simm.s32 $0x1BFF;
	s21 =	sshll.u32 s5, $0x1;
	s2 =	sadd.s32 s19, s18  }
0x9c: {  	s6 =	simm.s32 $0x0;
	s20 =	sshll.u32 s4, $0x1;
	s4 =	sadd.s32 s21, s2  }
0x9d: {  	[timem:s6], [sflag:s22] =	dma.local [hbm:s4], s20  }
0x9e: {  	_ =	swait.ge [sflag:s22], s20  }
0x9f: {  	s3 =	ssub.s32 $0x0, s20;
	[sflag:s22] =	ssyncset.done $0x0  }
0xa0: {  	[sflag:s22] =	ssyncadd.s32 s3;
	_ =	sdelay $0x1  }
0xa1: {  	s23 =	simm.s32 $0x1B8B  }
0xa2: {  	_ =	swait.ge [sflag:s23], $0x1  }
0xa3: {  	[sflag:s23] =	ssyncset.done $0x0  }
0xa4: {  	s25 =	simm.s32 $0x1B8E;
	s24 =	sld [smem:$0x3FFE];
	[sflag:s23] =	ssyncadd.s32 $0xFFFFFFFF  }
0xa5: {  	s26 =	simm.s32 $execute0_lowered;
	[smem:$0x3FD2] =	sst s25  }
0xa6: {  	s4 =	sshll.u32 s26, $0x1;
	_ =	strace $0x80000049;
	[dreg:$0x1] =	wrdreg $0xFFFFFFFF  }
0xa7: {  	s28 =	simm.s32 $_size_execute0_lowered;
	s2 =	sadd.s32 s2, s4;
	[dreg:$0x0] =	wrdreg $0x0  }
0xa8: {  	s4 =	sshll.u32 s28, $0x1;
	[dreg:$0x2] =	wrdreg s2  }
0xa9: {  	[dreg:$0x3] =	wrdreg s4  }
0xaa: {  	[dreg:$0x4] =	wrdreg $0xC0  }
0xab: {  	_ =	task [dreg:s6], $0x5FFFF  }
0xac: {  	[dreg:$0x1] =	wrdreg $0xFFFFFFFF  }
0xad: {  	[dreg:$0x0] =	wrdreg $0x60  }
0xae: {  	[dreg:$0x2] =	wrdreg s24  }
0xaf: {  	[dreg:$0x3] =	wrdreg $0x81000  }
0xb0: {  	[dreg:$0x4] =	wrdreg $0x9  }
0xb1: {  	_ =	task.clear_ibuf [dreg:s6], $0x5FFFF;
	_ =	strace $0x90000049  }
0xb2: {  	s29 =	simm.s32 $0x9;
	_ =	strace $0x8000004B  }
0xb3: {  	_ =	swait.ge [sflag:s29], $0x1  }
0xb4: {  	[sflag:s29] =	ssyncadd.s32 $0xFFFFFFFF  }
0xb5: {  	_ =	strace $0x9000004B  }
0xb6: {  	_ =	sfence  }
0xb7: {  	s30 =	sld [smem:$0x0];
	_ =	sdelay $0x2  }
0xb8: {  	s31 =	sshll.u32 s1, $0xD;
	s1 =	sshrl.u32 s1, $0x2  }
0xb9: {  	s3 =	sand.u32 $0x4000, s31;
	s1 =	sadd.s32 s1, s30  }
0xba: {  	s0 =	sor.u32 s3, s0;
	s1 =	sshll.u32 s1, $0x11  }
0xbb: {  	s0 =	sor.u32 s1, s0  }
0xbc: {  	s0 =	sadd.s32 $0x8F2B, s0  }
0xbd: {  	[sflag:s0] =	ssyncadd.remote.s32 $0x1  }
0xbe: {  	_ =	sfence.sel $0xFFFF  }
0xbf: {  	[dreg:$0x0] =	wrdreg $0xFFFFFFFF;
	(pc) =	sbr.abs _section_cstart, $3  }
0xc0: {  	[dreg:$0x1] =	wrdreg $0xFFFFFFFF  }
0xc1: {  	_ =	task.clear_ibuf [dreg:s6], $0x2FFFF;
	_ =	strace $0x9FFFFFFF  }
0xc2: {  	(tm) =	ssettm $0x7FFFFFFF  }
0xc3: {  	_ =	shalt  }
tec
execute0_lowered:
.L_overlay_start_1:
0x0: {  	(tag) =	ssettag $0x1  }
0x1: {  	s8 =	rddreg [dreg:$0x0]  }
0x2: {  	s2 =	rddreg [dreg:$0x1]  }
0x3: {  	s0 =	rddreg [dreg:$0x2];
	s4 =	srdreg.scid  }
0x4: {  	s1 =	stileid.u32;
	s3 =	simm.s32 $0x0;
	s20 =	simm.s32 $0x4100  }
0x5: {  	s21 =	simm.s32 $0x2;
	s22 =	simm.s32 $0x80;
	s23 =	simm.s32 $0x100  }
0x6: {  	s24 =	simm.s32 $0x1;
	s25 =	simm.s32 $0x0;
	s9 =	sand.u32 $0x1, s4  }
0x7: {  	s10 =	smul.u32 $0x280, s1;
	[smem:$0x7FF] =	sst s3;
	s4 =	sadd.s32 $0x22400, s8  }
0x8: {  	s5 =	sadd.s32 $0x18400, s8;
	s6 =	sadd.s32 $0x4400, s8;
	s12 =	smul.u32 $0x50000, s1  }
0x9: {  	s7 =	sadd.s32 $0xE400, s8;
	s11 =	smul.u32 $0x2800, s9;
	s28 =	ssub.s32 $0x2, s9  }
0xa: {  	_ =	strace $0x8000004A;
	s9 =	sshll.u32 s9, $0x4;
	s29 =	sshrl.u32 s28, $0x1  }
0xb: {  	s9 =	sor.u32 s1, s9;
	s31 =	sshrl.u32 s12, $0x2;
	s10 =	sadd.s32 s11, s10  }
0xc: {  	s30 =	ssub.s32 s28, s29;
	s9 =	smul.u32 $0x2800, s9;
	s10 =	sshll.u32 s10, $0x4  }
0xd: {  	s19 =	sadd.s32 s10, s8;
	s8 =	sadd.s32 s31, s2;
	s10 =	smax.u32 s30, $0x1  }
0xe: {  	s11 =	sadd.s32 $0x4000, s8;
	s12 =	sadd.s32 $0x8000, s8;
	s13 =	sadd.s32 $0xC000, s8  }
0xf: {  	s14 =	sadd.s32 $0x10000, s8;
	s15 =	sadd.s32 $0x4A400, s19;
	s16 =	sadd.s32 $0x4AC00, s19  }
0x10: {  	s17 =	sadd.s32 $0x4B400, s19;
	s18 =	sadd.s32 $0x4BC00, s19;
	s19 =	sadd.s32 $0x4C400, s19  }
.LBB2_1:
0x11: {  	[tilespmem:s20], [sflag:$0x2] =	stream.linear.gather [hbm4b:s7+s3], $0x4000, $0x38;
	[tilespmem:$0x1C100] =	vst v63  }
0x12: {  	_ =	swait.ge [sflag:s21], $0x4000  }
0x13: {  	[sflag:s21] =	ssyncset.done $0x0  }
0x14: {  	[sflag:s21] =	ssyncadd.s32 $0xFFFFC000  }
0x15: {  	[spmem:s8] =	stream.linear.scatter [tilespmem:s20], [sflag:$0x2], $0x4000, $0x38;
	[tilespmem:$0x1C100] =	vst v63  }
0x16: {  	_ =	swait.ge [sflag:s21], $0x4000  }
0x17: {  	[sflag:s21] =	ssyncset.done $0x0  }
0x18: {  	[sflag:s21] =	ssyncadd.s32 $0xFFFFC000  }
0x19: {  	[spmem:s11] =	stream.linear.scatter [tilespmem:s20], [sflag:$0x2], $0x4000, $0x38;
	[tilespmem:$0x1C100] =	vst v63  }
0x1a: {  	_ =	swait.ge [sflag:s21], $0x4000  }
0x1b: {  	[sflag:s21] =	ssyncset.done $0x0  }
0x1c: {  	[sflag:s21] =	ssyncadd.s32 $0xFFFFC000  }
0x1d: {  	[spmem:s12] =	stream.linear.scatter [tilespmem:s20], [sflag:$0x2], $0x4000, $0x38;
	[tilespmem:$0x1C100] =	vst v63  }
0x1e: {  	_ =	swait.ge [sflag:s21], $0x4000  }
0x1f: {  	[sflag:s21] =	ssyncset.done $0x0  }
0x20: {  	[sflag:s21] =	ssyncadd.s32 $0xFFFFC000  }
0x21: {  	[spmem:s13] =	stream.linear.scatter [tilespmem:s20], [sflag:$0x2], $0x4000, $0x38;
	[tilespmem:$0x1C100] =	vst v63  }
0x22: {  	_ =	swait.ge [sflag:s21], $0x4000  }
0x23: {  	[sflag:s21] =	ssyncset.done $0x0  }
0x24: {  	s26 =	sand.u32 $0x3C00, s3;
	[sflag:s21] =	ssyncadd.s32 $0xFFFFC000  }
0x25: {  	[spmem:s14] =	stream.linear.scatter [tilespmem:s20], [sflag:$0x2], $0x4000, $0x38;
	[tilespmem:$0x1C100] =	vst v63  }
0x26: {  	s28 =	sand.u32 $0x380, s3;
	s26 =	sadd.s32 s9, s26;
	_ =	swait.ge [sflag:s21], $0x4000  }
0x27: {  	s26 =	sor.u32 s28, s26;
	[sflag:s21] =	ssyncset.done $0x0  }
0x28: {  	s26 =	sshrl.u32 s26, $0x3;
	[sflag:s21] =	ssyncadd.s32 $0xFFFFC000  }
0x29: {  	s28 =	sadd.s32 s5, s26;
	[bflag:$0x0] =	sbarrier.arrive $0xFFFF  }
0x2a: {  	[tilespmem:s3], [sflag:$0x2] =	stream.linear.gather [hbm4b:s28+s3], $0x80, $0x38;
	[tilespmem:$0x1C100] =	vst v63  }
0x2b: {  	_ =	swait.ge [sflag:s21], $0x80  }
0x2c: {  	[sflag:s21] =	ssyncset.done $0x0  }
0x2d: {  	s26 =	sadd.s32 s6, s26;
	[sflag:s21] =	ssyncadd.s32 $0xFFFFFF80  }
0x2e: {  	[tilespmem:s22], [sflag:$0x2] =	stream.linear.gather [hbm4b:s26+s3], $0x80, $0x38;
	[tilespmem:$0x1C100] =	vst v63  }
0x2f: {  	_ =	swait.ge [sflag:s21], $0x80  }
0x30: {  	[sflag:s21] =	ssyncset.done $0x0  }
0x31: {  	[sflag:s21] =	ssyncadd.s32 $0xFFFFFF80  }
0x32: {  	[tilespmem:s23], [sflag:$0x1] =	stream.indirect.gather [hbm4b:s4+s22], $0x80, s3, s22, $0xb8;
	[tilespmem:$0x1C100] =	vst v63  }
0x33: {  	_ =	swait.ge [sflag:s24], $0x4000  }
0x34: {  	s31 =	simm.s32 $0x80;
	[sflag:s24] =	ssyncset.done $0x0  }
0x35: {  	s28 =	sand.u32 $0x3C00, s31;
	[sflag:s24] =	ssyncadd.s32 $0xFFFFC000  }
0x36: {  	[spmem:s2] =	stream.indirect.scatter.add.f32 [tilespmem:s23], [sflag:$0x2], $0x80, s22, s22, $0xb8;
	[tilespmem:$0x1C100] =	vst v63  }
0x37: {  	s29 =	sand.u32 $0x380, s31;
	s28 =	sadd.s32 s9, s28;
	_ =	swait.ge [sflag:s21], $0x4000  }
0x38: {  	s28 =	sor.u32 s29, s28;
	s26 =	simm.s32 $0x100;
	[sflag:s21] =	ssyncset.done $0x0  }
.LBB2_2:
0x39: {  	s28 =	sshrl.u32 s28, $0x3  }
0x3a: {  	[sflag:s21] =	ssyncadd.s32 $0xFFFFC000;
	s29 =	smov.u32 s26;
	s30 =	sadd.s32 $0x80, s26  }
0x3b: {  	p0 =	sne.s32 s26, $0x2700;
	s26 =	sadd.s32 s5, s28  }
0x3c: {  	[tilespmem:s3], [sflag:$0x2] =	stream.linear.gather [hbm4b:s26+s3], $0x80, $0x38;
	[tilespmem:$0x1C100] =	vst v63  }
0x3d: {  	_ =	swait.ge [sflag:s21], $0x80  }
0x3e: {  	[sflag:s21] =	ssyncset.done $0x0  }
0x3f: {  	s26 =	sadd.s32 s6, s28;
	[sflag:s21] =	ssyncadd.s32 $0xFFFFFF80  }
0x40: {  	[tilespmem:s22], [sflag:$0x2] =	stream.linear.gather [hbm4b:s26+s3], $0x80, $0x38;
	[tilespmem:$0x1C100] =	vst v63  }
0x41: {  	_ =	swait.ge [sflag:s21], $0x80  }
0x42: {  	[sflag:s21] =	ssyncset.done $0x0  }
0x43: {  	[sflag:s21] =	ssyncadd.s32 $0xFFFFFF80  }
0x44: {  	[tilespmem:s23], [sflag:$0x1] =	stream.indirect.gather [hbm4b:s4+s22], $0x80, s3, s22, $0xb8;
	[tilespmem:$0x1C100] =	vst v63  }
0x45: {  	_ =	swait.ge [sflag:s24], $0x4000  }
.Ltmp0:
0x46: {  	[sflag:s24] =	ssyncset.done $0x0;
	(pc) =	sbr.rel @p0 .LBB2_2-.Ltmp0, $4  }
0x47: {  	s26 =	sand.u32 $0x3C00, s29;
	[sflag:s24] =	ssyncadd.s32 $0xFFFFC000  }
0x48: {  	[spmem:s2] =	stream.indirect.scatter.add.f32 [tilespmem:s23], [sflag:$0x2], $0x80, s22, s22, $0xb8;
	[tilespmem:$0x1C100] =	vst v63  }
0x49: {  	s28 =	sand.u32 $0x380, s29;
	s26 =	sadd.s32 s9, s26;
	_ =	swait.ge [sflag:s21], $0x4000  }
0x4a: {  	s28 =	sor.u32 s28, s26;
	s26 =	smov.u32 s30;
	[sflag:s21] =	ssyncset.done $0x0  }
0x4b: {  	s26 =	sshrl.u32 s28, $0x3  }
0x4c: {  	[sflag:s21] =	ssyncadd.s32 $0xFFFFC000;
	s28 =	sadd.s32 s5, s26  }
0x4d: {  	[tilespmem:s3], [sflag:$0x2] =	stream.linear.gather [hbm4b:s28+s3], $0x80, $0x38;
	[tilespmem:$0x1C100] =	vst v63  }
0x4e: {  	_ =	swait.ge [sflag:s21], $0x80  }
0x4f: {  	[sflag:s21] =	ssyncset.done $0x0  }
0x50: {  	s26 =	sadd.s32 s6, s26;
	[sflag:s21] =	ssyncadd.s32 $0xFFFFFF80  }
0x51: {  	[tilespmem:s22], [sflag:$0x2] =	stream.linear.gather [hbm4b:s26+s3], $0x80, $0x38;
	[tilespmem:$0x1C100] =	vst v63  }
0x52: {  	_ =	swait.ge [sflag:s21], $0x80  }
0x53: {  	[sflag:s21] =	ssyncset.done $0x0  }
0x54: {  	[sflag:s21] =	ssyncadd.s32 $0xFFFFFF80  }
0x55: {  	[tilespmem:s23], [sflag:$0x1] =	stream.indirect.gather [hbm4b:s4+s22], $0x80, s3, s22, $0xb8;
	[tilespmem:$0x1C100] =	vst v63  }
0x56: {  	_ =	swait.ge [sflag:s24], $0x4000  }
0x57: {  	[sflag:s24] =	ssyncset.done $0x0  }
0x58: {  	[sflag:s24] =	ssyncadd.s32 $0xFFFFC000  }
0x59: {  	[spmem:s2] =	stream.indirect.scatter.add.f32 [tilespmem:s23], [sflag:$0x2], $0x80, s22, s22, $0xb8;
	[tilespmem:$0x1C100] =	vst v63  }
0x5a: {  	_ =	swait.ge [sflag:s21], $0x4000  }
0x5b: {  	[sflag:s21] =	ssyncset.done $0x0  }
0x5c: {  	[sflag:s21] =	ssyncadd.s32 $0xFFFFC000  }
0x5d: {  	[bflag:$0x0] =	sbarrier.arrive $0xFFFF  }
0x5e: {  	[tilespmem:s20], [sflag:$0x2] =	stream.linear.gather [spmem:s8], $0x4000, $0x38;
	[tilespmem:$0x1C100] =	vst v63  }
0x5f: {  	_ =	swait.ge [sflag:s21], $0x4000  }
0x60: {  	[sflag:s21] =	ssyncset.done $0x0  }
0x61: {  	[sflag:s21] =	ssyncadd.s32 $0xFFFFC000  }
0x62: {  	[hbm4b:s15+s3] =	stream.linear.scatter [tilespmem:s20], [sflag:$0x2], $0x4000, $0x38;
	[tilespmem:$0x1C100] =	vst v63  }
0x63: {  	_ =	swait.ge [sflag:s21], $0x4000  }
0x64: {  	[sflag:s21] =	ssyncset.done $0x0  }
0x65: {  	[sflag:s21] =	ssyncadd.s32 $0xFFFFC000  }
0x66: {  	[tilespmem:s20], [sflag:$0x2] =	stream.linear.gather [spmem:s11], $0x4000, $0x38;
	[tilespmem:$0x1C100] =	vst v63  }
0x67: {  	_ =	swait.ge [sflag:s21], $0x4000  }
0x68: {  	[sflag:s21] =	ssyncset.done $0x0  }
0x69: {  	[sflag:s21] =	ssyncadd.s32 $0xFFFFC000  }
0x6a: {  	[hbm4b:s16+s3] =	stream.linear.scatter [tilespmem:s20], [sflag:$0x2], $0x4000, $0x38;
	[tilespmem:$0x1C100] =	vst v63  }
0x6b: {  	_ =	swait.ge [sflag:s21], $0x4000  }
0x6c: {  	[sflag:s21] =	ssyncset.done $0x0  }
0x6d: {  	[sflag:s21] =	ssyncadd.s32 $0xFFFFC000  }
0x6e: {  	[tilespmem:s20], [sflag:$0x2] =	stream.linear.gather [spmem:s12], $0x4000, $0x38;
	[tilespmem:$0x1C100] =	vst v63  }
0x6f: {  	_ =	swait.ge [sflag:s21], $0x4000  }
0x70: {  	[sflag:s21] =	ssyncset.done $0x0  }
0x71: {  	[sflag:s21] =	ssyncadd.s32 $0xFFFFC000  }
0x72: {  	[hbm4b:s17+s3] =	stream.linear.scatter [tilespmem:s20], [sflag:$0x2], $0x4000, $0x38;
	[tilespmem:$0x1C100] =	vst v63  }
0x73: {  	_ =	swait.ge [sflag:s21], $0x4000  }
0x74: {  	[sflag:s21] =	ssyncset.done $0x0  }
0x75: {  	[sflag:s21] =	ssyncadd.s32 $0xFFFFC000  }
0x76: {  	[tilespmem:s20], [sflag:$0x2] =	stream.linear.gather [spmem:s13], $0x4000, $0x38;
	[tilespmem:$0x1C100] =	vst v63  }
0x77: {  	_ =	swait.ge [sflag:s21], $0x4000  }
0x78: {  	[sflag:s21] =	ssyncset.done $0x0  }
0x79: {  	[sflag:s21] =	ssyncadd.s32 $0xFFFFC000  }
0x7a: {  	[hbm4b:s18+s3] =	stream.linear.scatter [tilespmem:s20], [sflag:$0x2], $0x4000, $0x38;
	[tilespmem:$0x1C100] =	vst v63  }
0x7b: {  	_ =	swait.ge [sflag:s21], $0x4000  }
0x7c: {  	[sflag:s21] =	ssyncset.done $0x0  }
0x7d: {  	[sflag:s21] =	ssyncadd.s32 $0xFFFFC000  }
0x7e: {  	[tilespmem:s20], [sflag:$0x2] =	stream.linear.gather [spmem:s14], $0x4000, $0x38;
	[tilespmem:$0x1C100] =	vst v63  }
0x7f: {  	s25 =	sadd.s32 $0x1, s25;
	_ =	swait.ge [sflag:s21], $0x4000  }
0x80: {  	p0 =	sne.s32 s25, s10;
	[sflag:s21] =	ssyncset.done $0x0  }
.Ltmp1:
0x81: {  	[sflag:s21] =	ssyncadd.s32 $0xFFFFC000;
	(pc) =	sbr.rel @p0 .LBB2_1-.Ltmp1, $4  }
0x82: {  	[hbm4b:s19+s3] =	stream.linear.scatter [tilespmem:s20], [sflag:$0x2], $0x4000, $0x38;
	[tilespmem:$0x1C100] =	vst v63  }
0x83: {  	_ =	swait.ge [sflag:s21], $0x4000  }
0x84: {  	[sflag:s21] =	ssyncset.done $0x0  }
0x85: {  	[sflag:s21] =	ssyncadd.s32 $0xFFFFC000  }
0x86: {  	_ =	sfence.sel $0x180000  }
0x87: {  	[bflag:$0x0] =	sbarrier.arrive $0xFFFF  }
0x88: {  	p0 =	sne.s32 s1, $0x0;
	_ =	strace $0x9000004A  }
0x89: {  	s0 =	sadd.s32 @!p0 $0x100000, s0;
	[bflag:$0x2] =	sbarrier.arrive $0xFFFF  }
0x8a: {  	[sflag:s0] =	ssyncadd.tile.s32 @!p0 $0x1;
	_ =	shalt  }
.Lfunc_end2:
_tile_overlayer_lowered:
.L_overlay_start_2:
0x8b: {  	(tag) =	ssettag $0x2  }
0x8c: {  	s0 =	rddreg [dreg:$0x0];
	s2 =	stileid.u32  }
0x8d: {  	s1 =	rddreg [dreg:$0x1];
	p0 =	sne.s32 s2, $0x0  }
0x8e: {  	s3 =	rddreg [dreg:$0x2];
	[bflag:$0x3] =	sbarrier.arrive $0xFFFF;
	s2 =	simm.s32 @!p0 $0x1C02  }
0x8f: {  	[timem:s3], [sflag:s2] =	dma.local @!p0 [hbm:s0], s1  }
0x90: {  	s0 =	simm.s32 @!p0 $0x2  }
0x91: {  	_ =	swait.ge @!p0 [sflag:s0], s1  }
0x92: {  	s1 =	ssub.s32 @!p0 $0x0, s1;
	[sflag:s0] =	ssyncset.done @!p0 $0x0  }
0x93: {  	[sflag:s0] =	ssyncadd.s32 @!p0 s1  }
0x94: {  	[bflag:$0x3] =	sbarrier.arrive $0xFFFF  }
0x95: {  	_ =	shalt  }

// kernel: kernel.20.cloned.1.call-start
scs
__scs_entry_jumppad:
0x0: {  	(pc) =	sbr.rel $0x88, $3  }
0x1: {  	(tag) =	ssettag $0x0;
	lr =	simm.s32 $0x1  }
0x2: {  	[smem:$0x3F8C] =	sst lr;
	_ =	strace $0xD0000000  }
0x3: {  	_ = 	snop  }
0x4: {  	_ = 	snop  }
0x5: {  	_ = 	snop  }
0x6: {  	_ = 	snop  }
0x7: {  	_ = 	snop  }
__scs_overlays_trampoline_lowered:
0x8: {  	[smem:$0x3F9B] =	sst s0  }
0x9: {  	[smem:$0x3F9C] =	sst s1  }
0xa: {  	[smem:$0x3F9D] =	sst s2  }
0xb: {  	[smem:$0x3F9E] =	sst s3  }
0xc: {  	[smem:$0x3F9F] =	sst s4  }
0xd: {  	[smem:$0x3FA0] =	sst s5  }
0xe: {  	[smem:$0x3FA1] =	sst s6  }
0xf: {  	[smem:$0x3FA2] =	sst s7  }
0x10: {  	[smem:$0x3FA3] =	sst s8  }
0x11: {  	[smem:$0x3FA4] =	sst s9;
	s0 =	simm.s32 @!p0 $0x0  }
0x12: {  	s1 =	sld [smem:$0x3F8A];
	s0 =	simm.s32 @p0 $0x1  }
0x13: {  	[smem:$0x3FA5] =	sst s0;
	s0 =	simm.s32 @!p1 $0x0  }
0x14: {  	s2 =	sld [smem:$0x3F89];
	s0 =	simm.s32 @p1 $0x1  }
0x15: {  	[smem:$0x3FA6] =	sst s0;
	s0 =	simm.s32 @!p2 $0x0  }
0x16: {  	s3 =	sld [smem:$0x3FDB];
	s0 =	simm.s32 @p2 $0x1  }
0x17: {  	s4 =	simm.s32 $0x1BF5;
	[smem:$0x3FA8] =	sst s0  }
0x18: {  	s0 =	sld [smem:$0x3F8B];
	_ =	swait.ge [sflag:s4], $0x0  }
0x19: {  	s7 =	sld [smem:$0x3F8C]  }
0x1a: {  	s8 =	sadd.s32 $0xFFFFE003, lr  }
0x1b: {  	s9 =	sadd.s32 $0xFFFFFEF7, lr;
	s5 =	simm.s32 $0xFFFFFFFF;
	p2 =	slt.u32 s8, $0xFFFFF086  }
0x1c: {  	p1 =	slt.u32 s9, $0xF7A;
	s5 =	simm.s32 @!p2 $0x0  }
0x1d: {  	s5 =	simm.s32 @p1 $0x1;
	p0 =	seq.s32 s7, s2  }
0x1e: {  	s7 =	smul.u32 @!p0 $0xF7A, s2;
	p2 =	seq.s32 @!p0 s5, $0x0  }
0x1f: {  	s9 =	smul.u32 $0xF7A, s1;
	s8 =	simm.s32 @!p0 $0x1BF5;
	p2 =	por !p2, p0  }
0x20: {  	[sflag:s8] =	ssyncset.s32 @!p0 $0xFFFFF086;
	s6 =	sadd.s32 @!p0 s3, s7;
	s7 =	simm.s32 @!p0 $0x108  }
0x21: {  	s3 =	sadd.s32 s3, s9;
	s6 =	sadd.s32 @!p0 $0x88, s6;
	s7 =	simm.s32 @p2 $0x1082  }
0x22: {  	[simem:s7], [sflag:s8] =	dma.local @!p0 [hbm:s6], $0xF7A  }
0x23: {  	s9 =	sor.u32 $0xD0000000, s2;
	s6 =	simm.s32 $0x108;
	_ =	swait.ge @!p0 [sflag:s8], $0x0  }
0x24: {  	s3 =	sadd.s32 $0x88, s3;
	s6 =	simm.s32 @!p1 $0x1082;
	[sflag:s4] =	ssyncset.s32 $0xFFFFF086  }
0x25: {  	[simem:s6], [sflag:s4] =	dma.local [hbm:s3], $0xF7A  }
0x26: {  	[smem:$0x3F8C] =	sst s1;
	(tag) =	ssettag s2;
	_ =	strace s9  }
0x27: {  	s1 =	sld [smem:$0x3F9C]  }
0x28: {  	s2 =	sld [smem:$0x3F9D]  }
0x29: {  	s4 =	sld [smem:$0x3F9F]  }
0x2a: {  	p0 =	seq.s32 s5, $0x0;
	s5 =	sld [smem:$0x3FA0]  }
0x2b: {  	s6 =	sld [smem:$0x3FA1]  }
0x2c: {  	s7 =	sld [smem:$0x3FA2]  }
0x2d: {  	s3 =	simm.s32 $0x108;
	s8 =	sld [smem:$0x3FA3]  }
0x2e: {  	s3 =	simm.s32 @!p0 $0x1082;
	s9 =	sld [smem:$0x3FA4]  }
0x2f: {  	lr =	sadd.s32 s0, s3;
	s0 =	sld [smem:$0x3F9B]  }
0x30: {  	s3 =	sld [smem:$0x3F9E]  }
0x31: {  	[smem:$0x3FA7] =	sst s10  }
0x32: {  	s10 =	sld [smem:$0x3FA5];
	_ =	sdelay $0x3  }
0x33: {  	p0 =	seq.s32 s10, $0x1;
	s10 =	sld [smem:$0x3FA7];
	_ =	sdelay $0x3  }
0x34: {  	[smem:$0x3FA7] =	sst s10  }
0x35: {  	s10 =	sld [smem:$0x3FA6];
	_ =	sdelay $0x3  }
0x36: {  	p1 =	seq.s32 s10, $0x1;
	s10 =	sld [smem:$0x3FA7];
	_ =	sdelay $0x3  }
0x37: {  	[smem:$0x3FA7] =	sst s10  }
0x38: {  	s10 =	sld [smem:$0x3FA8]  }
0x39: {  	_ = 	snop;
	(pc) =	sbr.ind lr, $3  }
0x3a: {  	_ = 	snop  }
0x3b: {  	_ = 	snop  }
0x3c: {  	p2 =	seq.s32 s10, $0x1;
	s10 =	sld [smem:$0x3FA7]  }
0x3d: {  	_ =	shalt  }
0x3e: {  	_ =	shalt  }
0x3f: {  	_ =	shalt  }
0x40: {  	_ =	shalt  }
0x41: {  	_ =	shalt  }
0x42: {  	_ =	shalt  }
0x43: {  	_ =	shalt  }
0x44: {  	_ =	shalt  }
0x45: {  	_ =	shalt  }
0x46: {  	_ =	shalt  }
0x47: {  	_ =	shalt  }
0x48: {  	_ =	shalt  }
0x49: {  	_ =	shalt  }
0x4a: {  	_ =	shalt  }
0x4b: {  	_ =	shalt  }
0x4c: {  	_ =	shalt  }
0x4d: {  	_ =	shalt  }
0x4e: {  	_ =	shalt  }
0x4f: {  	_ =	shalt  }
0x50: {  	_ =	shalt  }
0x51: {  	_ =	shalt  }
0x52: {  	_ =	shalt  }
0x53: {  	_ =	shalt  }
0x54: {  	_ =	shalt  }
0x55: {  	_ =	shalt  }
0x56: {  	_ =	shalt  }
0x57: {  	_ =	shalt  }
0x58: {  	_ =	shalt  }
0x59: {  	_ =	shalt  }
0x5a: {  	_ =	shalt  }
0x5b: {  	_ =	shalt  }
0x5c: {  	_ =	shalt  }
0x5d: {  	_ =	shalt  }
0x5e: {  	_ =	shalt  }
0x5f: {  	_ =	shalt  }
0x60: {  	_ =	shalt  }
0x61: {  	_ =	shalt  }
0x62: {  	_ =	shalt  }
0x63: {  	_ =	shalt  }
0x64: {  	_ =	shalt  }
0x65: {  	_ =	shalt  }
0x66: {  	_ =	shalt  }
0x67: {  	_ =	shalt  }
0x68: {  	_ =	shalt  }
0x69: {  	_ =	shalt  }
0x6a: {  	_ =	shalt  }
0x6b: {  	_ =	shalt  }
0x6c: {  	_ =	shalt  }
0x6d: {  	_ =	shalt  }
0x6e: {  	_ =	shalt  }
0x6f: {  	_ =	shalt  }
0x70: {  	_ =	shalt  }
0x71: {  	_ =	shalt  }
0x72: {  	_ =	shalt  }
0x73: {  	_ =	shalt  }
0x74: {  	_ =	shalt  }
0x75: {  	_ =	shalt  }
0x76: {  	_ =	shalt  }
0x77: {  	_ =	shalt  }
0x78: {  	_ =	shalt  }
0x79: {  	_ =	shalt  }
0x7a: {  	_ =	shalt  }
0x7b: {  	_ =	shalt  }
0x7c: {  	_ =	shalt  }
0x7d: {  	_ =	shalt  }
0x7e: {  	_ =	shalt  }
0x7f: {  	_ =	shalt  }
0x80: {  	_ =	shalt  }
0x81: {  	_ =	shalt  }
0x82: {  	_ =	shalt  }
0x83: {  	_ =	shalt  }
0x84: {  	_ =	shalt  }
0x85: {  	_ =	shalt  }
0x86: {  	_ =	shalt  }
0x87: {  	_ =	shalt  }
.Lfunc_end0:
.L_simem_size_0:
called_computation.2_lowered:
.L_overlay_start_0:
0x88: {  	s2 =	sld [smem:$0x3FD9]  }
0x89: {  	s3 =	sld [smem:$0x3FFE];
	_ =	sdelay $0x1  }
0x8a: {  	s1 =	srdreg.scid  }
0x8b: {  	s0 =	sand.u32 $0x1, s1  }
0x8c: {  	s16 =	sshll.u32 s0, $0xA;
	s2 =	sadd.s32 s3, s2  }
0x8d: {  	s2 =	sadd.s32 s2, s16  }
0x8e: {  	[smem:$0x3FB3] =	sst s2  }
0x8f: {  	_ = 	snop  }
0x90: {  	(tm) =	ssettm $0x1  }
0x91: {  	s17 =	sld [smem:$0x3FFB];
	_ =	sdelay $0x3  }
0x92: {  	_ =	strace s17  }
0x93: {  	s2 =	sld [smem:$0x3FFC];
	_ =	sdelay $0x3  }
0x94: {  	_ =	strace s2  }
0x95: {  	s2 =	sld [smem:$0x3FFD];
	_ =	sdelay $0x3  }
0x96: {  	_ =	strace s2  }
0x97: {  	_ =	strace $0x8FFFFFFF  }
0x98: {  	s18 =	sld [smem:$0x3FDB];
	_ =	sdelay $0x1  }
0x99: {  	s19 =	simm.s32 $_scs_section_size  }
0x9a: {  	s4 =	simm.s32 $_size__tile_overlayer_lowered;
	s5 =	simm.s32 $_tile_overlayer_lowered  }
0x9b: {  	s22 =	simm.s32 $0x1BFF;
	s21 =	sshll.u32 s5, $0x1;
	s2 =	sadd.s32 s19, s18  }
0x9c: {  	s6 =	simm.s32 $0x0;
	s20 =	sshll.u32 s4, $0x1;
	s4 =	sadd.s32 s21, s2  }
0x9d: {  	[timem:s6], [sflag:s22] =	dma.local [hbm:s4], s20  }
0x9e: {  	_ =	swait.ge [sflag:s22], s20  }
0x9f: {  	s3 =	ssub.s32 $0x0, s20;
	[sflag:s22] =	ssyncset.done $0x0  }
0xa0: {  	[sflag:s22] =	ssyncadd.s32 s3;
	_ =	sdelay $0x1  }
0xa1: {  	s23 =	simm.s32 $0x1B8B  }
0xa2: {  	_ =	swait.ge [sflag:s23], $0x1  }
0xa3: {  	[sflag:s23] =	ssyncset.done $0x0  }
0xa4: {  	s25 =	simm.s32 $0x1B8E;
	s24 =	sld [smem:$0x3FFE];
	[sflag:s23] =	ssyncadd.s32 $0xFFFFFFFF  }
0xa5: {  	s26 =	simm.s32 $execute0_lowered;
	[smem:$0x3FD2] =	sst s25  }
0xa6: {  	s4 =	sshll.u32 s26, $0x1;
	_ =	strace $0x8000004C;
	[dreg:$0x1] =	wrdreg $0xFFFFFFFF  }
0xa7: {  	s28 =	simm.s32 $_size_execute0_lowered;
	s2 =	sadd.s32 s2, s4;
	[dreg:$0x0] =	wrdreg $0x0  }
0xa8: {  	s4 =	sshll.u32 s28, $0x1;
	[dreg:$0x2] =	wrdreg s2  }
0xa9: {  	[dreg:$0x3] =	wrdreg s4  }
0xaa: {  	[dreg:$0x4] =	wrdreg $0xC0  }
0xab: {  	_ =	task [dreg:s6], $0x5FFFF  }
0xac: {  	[dreg:$0x1] =	wrdreg $0xFFFFFFFF  }
0xad: {  	[dreg:$0x0] =	wrdreg $0x60  }
0xae: {  	[dreg:$0x2] =	wrdreg s24  }
0xaf: {  	[dreg:$0x3] =	wrdreg $0x81000  }
0xb0: {  	[dreg:$0x4] =	wrdreg $0x9  }
0xb1: {  	_ =	task.clear_ibuf [dreg:s6], $0x5FFFF;
	_ =	strace $0x9000004C  }
0xb2: {  	s29 =	simm.s32 $0x9;
	_ =	strace $0x8000004E  }
0xb3: {  	_ =	swait.ge [sflag:s29], $0x1  }
0xb4: {  	[sflag:s29] =	ssyncadd.s32 $0xFFFFFFFF  }
0xb5: {  	_ =	strace $0x9000004E  }
0xb6: {  	_ =	sfence  }
0xb7: {  	s30 =	sld [smem:$0x0];
	_ =	sdelay $0x2  }
0xb8: {  	s31 =	sshll.u32 s1, $0xD;
	s1 =	sshrl.u32 s1, $0x2  }
0xb9: {  	s3 =	sand.u32 $0x4000, s31;
	s1 =	sadd.s32 s1, s30  }
0xba: {  	s0 =	sor.u32 s3, s0;
	s1 =	sshll.u32 s1, $0x11  }
0xbb: {  	s0 =	sor.u32 s1, s0  }
0xbc: {  	s0 =	sadd.s32 $0x8F2B, s0  }
0xbd: {  	[sflag:s0] =	ssyncadd.remote.s32 $0x1  }
0xbe: {  	_ =	sfence.sel $0xFFFF  }
0xbf: {  	[dreg:$0x0] =	wrdreg $0xFFFFFFFF;
	(pc) =	sbr.abs _section_cstart, $3  }
0xc0: {  	[dreg:$0x1] =	wrdreg $0xFFFFFFFF  }
0xc1: {  	_ =	task.clear_ibuf [dreg:s6], $0x2FFFF;
	_ =	strace $0x9FFFFFFF  }
0xc2: {  	(tm) =	ssettm $0x7FFFFFFF  }
0xc3: {  	_ =	shalt  }
tec
execute0_lowered:
.L_overlay_start_1:
0x0: {  	(tag) =	ssettag $0x1  }
0x1: {  	s8 =	rddreg [dreg:$0x0]  }
0x2: {  	s2 =	rddreg [dreg:$0x1]  }
0x3: {  	s0 =	rddreg [dreg:$0x2];
	s4 =	srdreg.scid  }
0x4: {  	s1 =	stileid.u32;
	s3 =	simm.s32 $0x0;
	s20 =	simm.s32 $0x4100  }
0x5: {  	s21 =	simm.s32 $0x2;
	s22 =	simm.s32 $0x80;
	s23 =	simm.s32 $0x100  }
0x6: {  	s24 =	simm.s32 $0x1;
	s25 =	simm.s32 $0x0;
	s9 =	sand.u32 $0x1, s4  }
0x7: {  	s10 =	smul.u32 $0x280, s1;
	[smem:$0x7FF] =	sst s3;
	s4 =	sadd.s32 $0x22400, s8  }
0x8: {  	s5 =	sadd.s32 $0x18400, s8;
	s6 =	sadd.s32 $0x4400, s8;
	s12 =	smul.u32 $0x50000, s1  }
0x9: {  	s7 =	sadd.s32 $0xE400, s8;
	s11 =	smul.u32 $0x2800, s9;
	s28 =	ssub.s32 $0x2, s9  }
0xa: {  	_ =	strace $0x8000004D;
	s9 =	sshll.u32 s9, $0x4;
	s29 =	sshrl.u32 s28, $0x1  }
0xb: {  	s9 =	sor.u32 s1, s9;
	s31 =	sshrl.u32 s12, $0x2;
	s10 =	sadd.s32 s11, s10  }
0xc: {  	s30 =	ssub.s32 s28, s29;
	s9 =	smul.u32 $0x2800, s9;
	s10 =	sshll.u32 s10, $0x4  }
0xd: {  	s19 =	sadd.s32 s10, s8;
	s8 =	sadd.s32 s31, s2;
	s10 =	smax.u32 s30, $0x1  }
0xe: {  	s11 =	sadd.s32 $0x4000, s8;
	s12 =	sadd.s32 $0x8000, s8;
	s13 =	sadd.s32 $0xC000, s8  }
0xf: {  	s14 =	sadd.s32 $0x10000, s8;
	s15 =	sadd.s32 $0x4A400, s19;
	s16 =	sadd.s32 $0x4AC00, s19  }
0x10: {  	s17 =	sadd.s32 $0x4B400, s19;
	s18 =	sadd.s32 $0x4BC00, s19;
	s19 =	sadd.s32 $0x4C400, s19  }
.LBB2_1:
0x11: {  	[tilespmem:s20], [sflag:$0x2] =	stream.linear.gather [hbm4b:s7+s3], $0x4000, $0x38;
	[tilespmem:$0x1C100] =	vst v63  }
0x12: {  	_ =	swait.ge [sflag:s21], $0x4000  }
0x13: {  	[sflag:s21] =	ssyncset.done $0x0  }
0x14: {  	[sflag:s21] =	ssyncadd.s32 $0xFFFFC000  }
0x15: {  	[spmem:s8] =	stream.linear.scatter [tilespmem:s20], [sflag:$0x2], $0x4000, $0x38;
	[tilespmem:$0x1C100] =	vst v63  }
0x16: {  	_ =	swait.ge [sflag:s21], $0x4000  }
0x17: {  	[sflag:s21] =	ssyncset.done $0x0  }
0x18: {  	[sflag:s21] =	ssyncadd.s32 $0xFFFFC000  }
0x19: {  	[spmem:s11] =	stream.linear.scatter [tilespmem:s20], [sflag:$0x2], $0x4000, $0x38;
	[tilespmem:$0x1C100] =	vst v63  }
0x1a: {  	_ =	swait.ge [sflag:s21], $0x4000  }
0x1b: {  	[sflag:s21] =	ssyncset.done $0x0  }
0x1c: {  	[sflag:s21] =	ssyncadd.s32 $0xFFFFC000  }
0x1d: {  	[spmem:s12] =	stream.linear.scatter [tilespmem:s20], [sflag:$0x2], $0x4000, $0x38;
	[tilespmem:$0x1C100] =	vst v63  }
0x1e: {  	_ =	swait.ge [sflag:s21], $0x4000  }
0x1f: {  	[sflag:s21] =	ssyncset.done $0x0  }
0x20: {  	[sflag:s21] =	ssyncadd.s32 $0xFFFFC000  }
0x21: {  	[spmem:s13] =	stream.linear.scatter [tilespmem:s20], [sflag:$0x2], $0x4000, $0x38;
	[tilespmem:$0x1C100] =	vst v63  }
0x22: {  	_ =	swait.ge [sflag:s21], $0x4000  }
0x23: {  	[sflag:s21] =	ssyncset.done $0x0  }
0x24: {  	s26 =	sand.u32 $0x3C00, s3;
	[sflag:s21] =	ssyncadd.s32 $0xFFFFC000  }
0x25: {  	[spmem:s14] =	stream.linear.scatter [tilespmem:s20], [sflag:$0x2], $0x4000, $0x38;
	[tilespmem:$0x1C100] =	vst v63  }
0x26: {  	s28 =	sand.u32 $0x380, s3;
	s26 =	sadd.s32 s9, s26;
	_ =	swait.ge [sflag:s21], $0x4000  }
0x27: {  	s26 =	sor.u32 s28, s26;
	[sflag:s21] =	ssyncset.done $0x0  }
0x28: {  	s26 =	sshrl.u32 s26, $0x3;
	[sflag:s21] =	ssyncadd.s32 $0xFFFFC000  }
0x29: {  	s28 =	sadd.s32 s5, s26;
	[bflag:$0x0] =	sbarrier.arrive $0xFFFF  }
0x2a: {  	[tilespmem:s3], [sflag:$0x2] =	stream.linear.gather [hbm4b:s28+s3], $0x80, $0x38;
	[tilespmem:$0x1C100] =	vst v63  }
0x2b: {  	_ =	swait.ge [sflag:s21], $0x80  }
0x2c: {  	[sflag:s21] =	ssyncset.done $0x0  }
0x2d: {  	s26 =	sadd.s32 s6, s26;
	[sflag:s21] =	ssyncadd.s32 $0xFFFFFF80  }
0x2e: {  	[tilespmem:s22], [sflag:$0x2] =	stream.linear.gather [hbm4b:s26+s3], $0x80, $0x38;
	[tilespmem:$0x1C100] =	vst v63  }
0x2f: {  	_ =	swait.ge [sflag:s21], $0x80  }
0x30: {  	[sflag:s21] =	ssyncset.done $0x0  }
0x31: {  	[sflag:s21] =	ssyncadd.s32 $0xFFFFFF80  }
0x32: {  	[tilespmem:s23], [sflag:$0x1] =	stream.indirect.gather [hbm4b:s4+s22], $0x80, s3, s22, $0xb8;
	[tilespmem:$0x1C100] =	vst v63  }
0x33: {  	_ =	swait.ge [sflag:s24], $0x4000  }
0x34: {  	s31 =	simm.s32 $0x80;
	[sflag:s24] =	ssyncset.done $0x0  }
0x35: {  	s28 =	sand.u32 $0x3C00, s31;
	[sflag:s24] =	ssyncadd.s32 $0xFFFFC000  }
0x36: {  	[spmem:s2] =	stream.indirect.scatter.add.f32 [tilespmem:s23], [sflag:$0x2], $0x80, s22, s22, $0xb8;
	[tilespmem:$0x1C100] =	vst v63  }
0x37: {  	s29 =	sand.u32 $0x380, s31;
	s28 =	sadd.s32 s9, s28;
	_ =	swait.ge [sflag:s21], $0x4000  }
0x38: {  	s28 =	sor.u32 s29, s28;
	s26 =	simm.s32 $0x100;
	[sflag:s21] =	ssyncset.done $0x0  }
.LBB2_2:
0x39: {  	s28 =	sshrl.u32 s28, $0x3  }
0x3a: {  	[sflag:s21] =	ssyncadd.s32 $0xFFFFC000;
	s29 =	smov.u32 s26;
	s30 =	sadd.s32 $0x80, s26  }
0x3b: {  	p0 =	sne.s32 s26, $0x2700;
	s26 =	sadd.s32 s5, s28  }
0x3c: {  	[tilespmem:s3], [sflag:$0x2] =	stream.linear.gather [hbm4b:s26+s3], $0x80, $0x38;
	[tilespmem:$0x1C100] =	vst v63  }
0x3d: {  	_ =	swait.ge [sflag:s21], $0x80  }
0x3e: {  	[sflag:s21] =	ssyncset.done $0x0  }
0x3f: {  	s26 =	sadd.s32 s6, s28;
	[sflag:s21] =	ssyncadd.s32 $0xFFFFFF80  }
0x40: {  	[tilespmem:s22], [sflag:$0x2] =	stream.linear.gather [hbm4b:s26+s3], $0x80, $0x38;
	[tilespmem:$0x1C100] =	vst v63  }
0x41: {  	_ =	swait.ge [sflag:s21], $0x80  }
0x42: {  	[sflag:s21] =	ssyncset.done $0x0  }
0x43: {  	[sflag:s21] =	ssyncadd.s32 $0xFFFFFF80  }
0x44: {  	[tilespmem:s23], [sflag:$0x1] =	stream.indirect.gather [hbm4b:s4+s22], $0x80, s3, s22, $0xb8;
	[tilespmem:$0x1C100] =	vst v63  }
0x45: {  	_ =	swait.ge [sflag:s24], $0x4000  }
.Ltmp0:
0x46: {  	[sflag:s24] =	ssyncset.done $0x0;
	(pc) =	sbr.rel @p0 .LBB2_2-.Ltmp0, $4  }
0x47: {  	s26 =	sand.u32 $0x3C00, s29;
	[sflag:s24] =	ssyncadd.s32 $0xFFFFC000  }
0x48: {  	[spmem:s2] =	stream.indirect.scatter.add.f32 [tilespmem:s23], [sflag:$0x2], $0x80, s22, s22, $0xb8;
	[tilespmem:$0x1C100] =	vst v63  }
0x49: {  	s28 =	sand.u32 $0x380, s29;
	s26 =	sadd.s32 s9, s26;
	_ =	swait.ge [sflag:s21], $0x4000  }
0x4a: {  	s28 =	sor.u32 s28, s26;
	s26 =	smov.u32 s30;
	[sflag:s21] =	ssyncset.done $0x0  }
0x4b: {  	s26 =	sshrl.u32 s28, $0x3  }
0x4c: {  	[sflag:s21] =	ssyncadd.s32 $0xFFFFC000;
	s28 =	sadd.s32 s5, s26  }
0x4d: {  	[tilespmem:s3], [sflag:$0x2] =	stream.linear.gather [hbm4b:s28+s3], $0x80, $0x38;
	[tilespmem:$0x1C100] =	vst v63  }
0x4e: {  	_ =	swait.ge [sflag:s21], $0x80  }
0x4f: {  	[sflag:s21] =	ssyncset.done $0x0  }
0x50: {  	s26 =	sadd.s32 s6, s26;
	[sflag:s21] =	ssyncadd.s32 $0xFFFFFF80  }
0x51: {  	[tilespmem:s22], [sflag:$0x2] =	stream.linear.gather [hbm4b:s26+s3], $0x80, $0x38;
	[tilespmem:$0x1C100] =	vst v63  }
0x52: {  	_ =	swait.ge [sflag:s21], $0x80  }
0x53: {  	[sflag:s21] =	ssyncset.done $0x0  }
0x54: {  	[sflag:s21] =	ssyncadd.s32 $0xFFFFFF80  }
0x55: {  	[tilespmem:s23], [sflag:$0x1] =	stream.indirect.gather [hbm4b:s4+s22], $0x80, s3, s22, $0xb8;
	[tilespmem:$0x1C100] =	vst v63  }
0x56: {  	_ =	swait.ge [sflag:s24], $0x4000  }
0x57: {  	[sflag:s24] =	ssyncset.done $0x0  }
0x58: {  	[sflag:s24] =	ssyncadd.s32 $0xFFFFC000  }
0x59: {  	[spmem:s2] =	stream.indirect.scatter.add.f32 [tilespmem:s23], [sflag:$0x2], $0x80, s22, s22, $0xb8;
	[tilespmem:$0x1C100] =	vst v63  }
0x5a: {  	_ =	swait.ge [sflag:s21], $0x4000  }
0x5b: {  	[sflag:s21] =	ssyncset.done $0x0  }
0x5c: {  	[sflag:s21] =	ssyncadd.s32 $0xFFFFC000  }
0x5d: {  	[bflag:$0x0] =	sbarrier.arrive $0xFFFF  }
0x5e: {  	[tilespmem:s20], [sflag:$0x2] =	stream.linear.gather [spmem:s8], $0x4000, $0x38;
	[tilespmem:$0x1C100] =	vst v63  }
0x5f: {  	_ =	swait.ge [sflag:s21], $0x4000  }
0x60: {  	[sflag:s21] =	ssyncset.done $0x0  }
0x61: {  	[sflag:s21] =	ssyncadd.s32 $0xFFFFC000  }
0x62: {  	[hbm4b:s15+s3] =	stream.linear.scatter [tilespmem:s20], [sflag:$0x2], $0x4000, $0x38;
	[tilespmem:$0x1C100] =	vst v63  }
0x63: {  	_ =	swait.ge [sflag:s21], $0x4000  }
0x64: {  	[sflag:s21] =	ssyncset.done $0x0  }
0x65: {  	[sflag:s21] =	ssyncadd.s32 $0xFFFFC000  }
0x66: {  	[tilespmem:s20], [sflag:$0x2] =	stream.linear.gather [spmem:s11], $0x4000, $0x38;
	[tilespmem:$0x1C100] =	vst v63  }
0x67: {  	_ =	swait.ge [sflag:s21], $0x4000  }
0x68: {  	[sflag:s21] =	ssyncset.done $0x0  }
0x69: {  	[sflag:s21] =	ssyncadd.s32 $0xFFFFC000  }
0x6a: {  	[hbm4b:s16+s3] =	stream.linear.scatter [tilespmem:s20], [sflag:$0x2], $0x4000, $0x38;
	[tilespmem:$0x1C100] =	vst v63  }
0x6b: {  	_ =	swait.ge [sflag:s21], $0x4000  }
0x6c: {  	[sflag:s21] =	ssyncset.done $0x0  }
0x6d: {  	[sflag:s21] =	ssyncadd.s32 $0xFFFFC000  }
0x6e: {  	[tilespmem:s20], [sflag:$0x2] =	stream.linear.gather [spmem:s12], $0x4000, $0x38;
	[tilespmem:$0x1C100] =	vst v63  }
0x6f: {  	_ =	swait.ge [sflag:s21], $0x4000  }
0x70: {  	[sflag:s21] =	ssyncset.done $0x0  }
0x71: {  	[sflag:s21] =	ssyncadd.s32 $0xFFFFC000  }
0x72: {  	[hbm4b:s17+s3] =	stream.linear.scatter [tilespmem:s20], [sflag:$0x2], $0x4000, $0x38;
	[tilespmem:$0x1C100] =	vst v63  }
0x73: {  	_ =	swait.ge [sflag:s21], $0x4000  }
0x74: {  	[sflag:s21] =	ssyncset.done $0x0  }
0x75: {  	[sflag:s21] =	ssyncadd.s32 $0xFFFFC000  }
0x76: {  	[tilespmem:s20], [sflag:$0x2] =	stream.linear.gather [spmem:s13], $0x4000, $0x38;
	[tilespmem:$0x1C100] =	vst v63  }
0x77: {  	_ =	swait.ge [sflag:s21], $0x4000  }
0x78: {  	[sflag:s21] =	ssyncset.done $0x0  }
0x79: {  	[sflag:s21] =	ssyncadd.s32 $0xFFFFC000  }
0x7a: {  	[hbm4b:s18+s3] =	stream.linear.scatter [tilespmem:s20], [sflag:$0x2], $0x4000, $0x38;
	[tilespmem:$0x1C100] =	vst v63  }
0x7b: {  	_ =	swait.ge [sflag:s21], $0x4000  }
0x7c: {  	[sflag:s21] =	ssyncset.done $0x0  }
0x7d: {  	[sflag:s21] =	ssyncadd.s32 $0xFFFFC000  }
0x7e: {  	[tilespmem:s20], [sflag:$0x2] =	stream.linear.gather [spmem:s14], $0x4000, $0x38;
	[tilespmem:$0x1C100] =	vst v63  }
0x7f: {  	s25 =	sadd.s32 $0x1, s25;
	_ =	swait.ge [sflag:s21], $0x4000  }
0x80: {  	p0 =	sne.s32 s25, s10;
	[sflag:s21] =	ssyncset.done $0x0  }
.Ltmp1:
0x81: {  	[sflag:s21] =	ssyncadd.s32 $0xFFFFC000;
	(pc) =	sbr.rel @p0 .LBB2_1-.Ltmp1, $4  }
0x82: {  	[hbm4b:s19+s3] =	stream.linear.scatter [tilespmem:s20], [sflag:$0x2], $0x4000, $0x38;
	[tilespmem:$0x1C100] =	vst v63  }
0x83: {  	_ =	swait.ge [sflag:s21], $0x4000  }
0x84: {  	[sflag:s21] =	ssyncset.done $0x0  }
0x85: {  	[sflag:s21] =	ssyncadd.s32 $0xFFFFC000  }
0x86: {  	_ =	sfence.sel $0x180000  }
0x87: {  	[bflag:$0x0] =	sbarrier.arrive $0xFFFF  }
0x88: {  	p0 =	sne.s32 s1, $0x0;
	_ =	strace $0x9000004D  }
0x89: {  	s0 =	sadd.s32 @!p0 $0x100000, s0;
	[bflag:$0x2] =	sbarrier.arrive $0xFFFF  }
0x8a: {  	[sflag:s0] =	ssyncadd.tile.s32 @!p0 $0x1;
	_ =	shalt  }
.Lfunc_end2:
_tile_overlayer_lowered:
.L_overlay_start_2:
0x8b: {  	(tag) =	ssettag $0x2  }
0x8c: {  	s0 =	rddreg [dreg:$0x0];
	s2 =	stileid.u32  }
0x8d: {  	s1 =	rddreg [dreg:$0x1];
	p0 =	sne.s32 s2, $0x0  }
0x8e: {  	s3 =	rddreg [dreg:$0x2];
	[bflag:$0x3] =	sbarrier.arrive $0xFFFF;
	s2 =	simm.s32 @!p0 $0x1C02  }
0x8f: {  	[timem:s3], [sflag:s2] =	dma.local @!p0 [hbm:s0], s1  }
0x90: {  	s0 =	simm.s32 @!p0 $0x2  }
0x91: {  	_ =	swait.ge @!p0 [sflag:s0], s1  }
0x92: {  	s1 =	ssub.s32 @!p0 $0x0, s1;
	[sflag:s0] =	ssyncset.done @!p0 $0x0  }
0x93: {  	[sflag:s0] =	ssyncadd.s32 @!p0 s1  }
0x94: {  	[bflag:$0x3] =	sbarrier.arrive $0xFFFF  }
0x95: {  	_ =	shalt  }

// kernel: kernel.23.cloned.1.call-start
scs
__scs_entry_jumppad:
0x0: {  	(pc) =	sbr.rel $0x88, $3  }
0x1: {  	(tag) =	ssettag $0x0;
	lr =	simm.s32 $0x1  }
0x2: {  	[smem:$0x3F8C] =	sst lr;
	_ =	strace $0xD0000000  }
0x3: {  	_ = 	snop  }
0x4: {  	_ = 	snop  }
0x5: {  	_ = 	snop  }
0x6: {  	_ = 	snop  }
0x7: {  	_ = 	snop  }
__scs_overlays_trampoline_lowered:
0x8: {  	[smem:$0x3F9B] =	sst s0  }
0x9: {  	[smem:$0x3F9C] =	sst s1  }
0xa: {  	[smem:$0x3F9D] =	sst s2  }
0xb: {  	[smem:$0x3F9E] =	sst s3  }
0xc: {  	[smem:$0x3F9F] =	sst s4  }
0xd: {  	[smem:$0x3FA0] =	sst s5  }
0xe: {  	[smem:$0x3FA1] =	sst s6  }
0xf: {  	[smem:$0x3FA2] =	sst s7  }
0x10: {  	[smem:$0x3FA3] =	sst s8  }
0x11: {  	[smem:$0x3FA4] =	sst s9;
	s0 =	simm.s32 @!p0 $0x0  }
0x12: {  	s1 =	sld [smem:$0x3F8A];
	s0 =	simm.s32 @p0 $0x1  }
0x13: {  	[smem:$0x3FA5] =	sst s0;
	s0 =	simm.s32 @!p1 $0x0  }
0x14: {  	s2 =	sld [smem:$0x3F89];
	s0 =	simm.s32 @p1 $0x1  }
0x15: {  	[smem:$0x3FA6] =	sst s0;
	s0 =	simm.s32 @!p2 $0x0  }
0x16: {  	s3 =	sld [smem:$0x3FDB];
	s0 =	simm.s32 @p2 $0x1  }
0x17: {  	s4 =	simm.s32 $0x1BF5;
	[smem:$0x3FA8] =	sst s0  }
0x18: {  	s0 =	sld [smem:$0x3F8B];
	_ =	swait.ge [sflag:s4], $0x0  }
0x19: {  	s7 =	sld [smem:$0x3F8C]  }
0x1a: {  	s8 =	sadd.s32 $0xFFFFE003, lr  }
0x1b: {  	s9 =	sadd.s32 $0xFFFFFEF7, lr;
	s5 =	simm.s32 $0xFFFFFFFF;
	p2 =	slt.u32 s8, $0xFFFFF086  }
0x1c: {  	p1 =	slt.u32 s9, $0xF7A;
	s5 =	simm.s32 @!p2 $0x0  }
0x1d: {  	s5 =	simm.s32 @p1 $0x1;
	p0 =	seq.s32 s7, s2  }
0x1e: {  	s7 =	smul.u32 @!p0 $0xF7A, s2;
	p2 =	seq.s32 @!p0 s5, $0x0  }
0x1f: {  	s9 =	smul.u32 $0xF7A, s1;
	s8 =	simm.s32 @!p0 $0x1BF5;
	p2 =	por !p2, p0  }
0x20: {  	[sflag:s8] =	ssyncset.s32 @!p0 $0xFFFFF086;
	s6 =	sadd.s32 @!p0 s3, s7;
	s7 =	simm.s32 @!p0 $0x108  }
0x21: {  	s3 =	sadd.s32 s3, s9;
	s6 =	sadd.s32 @!p0 $0x88, s6;
	s7 =	simm.s32 @p2 $0x1082  }
0x22: {  	[simem:s7], [sflag:s8] =	dma.local @!p0 [hbm:s6], $0xF7A  }
0x23: {  	s9 =	sor.u32 $0xD0000000, s2;
	s6 =	simm.s32 $0x108;
	_ =	swait.ge @!p0 [sflag:s8], $0x0  }
0x24: {  	s3 =	sadd.s32 $0x88, s3;
	s6 =	simm.s32 @!p1 $0x1082;
	[sflag:s4] =	ssyncset.s32 $0xFFFFF086  }
0x25: {  	[simem:s6], [sflag:s4] =	dma.local [hbm:s3], $0xF7A  }
0x26: {  	[smem:$0x3F8C] =	sst s1;
	(tag) =	ssettag s2;
	_ =	strace s9  }
0x27: {  	s1 =	sld [smem:$0x3F9C]  }
0x28: {  	s2 =	sld [smem:$0x3F9D]  }
0x29: {  	s4 =	sld [smem:$0x3F9F]  }
0x2a: {  	p0 =	seq.s32 s5, $0x0;
	s5 =	sld [smem:$0x3FA0]  }
0x2b: {  	s6 =	sld [smem:$0x3FA1]  }
0x2c: {  	s7 =	sld [smem:$0x3FA2]  }
0x2d: {  	s3 =	simm.s32 $0x108;
	s8 =	sld [smem:$0x3FA3]  }
0x2e: {  	s3 =	simm.s32 @!p0 $0x1082;
	s9 =	sld [smem:$0x3FA4]  }
0x2f: {  	lr =	sadd.s32 s0, s3;
	s0 =	sld [smem:$0x3F9B]  }
0x30: {  	s3 =	sld [smem:$0x3F9E]  }
0x31: {  	[smem:$0x3FA7] =	sst s10  }
0x32: {  	s10 =	sld [smem:$0x3FA5];
	_ =	sdelay $0x3  }
0x33: {  	p0 =	seq.s32 s10, $0x1;
	s10 =	sld [smem:$0x3FA7];
	_ =	sdelay $0x3  }
0x34: {  	[smem:$0x3FA7] =	sst s10  }
0x35: {  	s10 =	sld [smem:$0x3FA6];
	_ =	sdelay $0x3  }
0x36: {  	p1 =	seq.s32 s10, $0x1;
	s10 =	sld [smem:$0x3FA7];
	_ =	sdelay $0x3  }
0x37: {  	[smem:$0x3FA7] =	sst s10  }
0x38: {  	s10 =	sld [smem:$0x3FA8]  }
0x39: {  	_ = 	snop;
	(pc) =	sbr.ind lr, $3  }
0x3a: {  	_ = 	snop  }
0x3b: {  	_ = 	snop  }
0x3c: {  	p2 =	seq.s32 s10, $0x1;
	s10 =	sld [smem:$0x3FA7]  }
0x3d: {  	_ =	shalt  }
0x3e: {  	_ =	shalt  }
0x3f: {  	_ =	shalt  }
0x40: {  	_ =	shalt  }
0x41: {  	_ =	shalt  }
0x42: {  	_ =	shalt  }
0x43: {  	_ =	shalt  }
0x44: {  	_ =	shalt  }
0x45: {  	_ =	shalt  }
0x46: {  	_ =	shalt  }
0x47: {  	_ =	shalt  }
0x48: {  	_ =	shalt  }
0x49: {  	_ =	shalt  }
0x4a: {  	_ =	shalt  }
0x4b: {  	_ =	shalt  }
0x4c: {  	_ =	shalt  }
0x4d: {  	_ =	shalt  }
0x4e: {  	_ =	shalt  }
0x4f: {  	_ =	shalt  }
0x50: {  	_ =	shalt  }
0x51: {  	_ =	shalt  }
0x52: {  	_ =	shalt  }
0x53: {  	_ =	shalt  }
0x54: {  	_ =	shalt  }
0x55: {  	_ =	shalt  }
0x56: {  	_ =	shalt  }
0x57: {  	_ =	shalt  }
0x58: {  	_ =	shalt  }
0x59: {  	_ =	shalt  }
0x5a: {  	_ =	shalt  }
0x5b: {  	_ =	shalt  }
0x5c: {  	_ =	shalt  }
0x5d: {  	_ =	shalt  }
0x5e: {  	_ =	shalt  }
0x5f: {  	_ =	shalt  }
0x60: {  	_ =	shalt  }
0x61: {  	_ =	shalt  }
0x62: {  	_ =	shalt  }
0x63: {  	_ =	shalt  }
0x64: {  	_ =	shalt  }
0x65: {  	_ =	shalt  }
0x66: {  	_ =	shalt  }
0x67: {  	_ =	shalt  }
0x68: {  	_ =	shalt  }
0x69: {  	_ =	shalt  }
0x6a: {  	_ =	shalt  }
0x6b: {  	_ =	shalt  }
0x6c: {  	_ =	shalt  }
0x6d: {  	_ =	shalt  }
0x6e: {  	_ =	shalt  }
0x6f: {  	_ =	shalt  }
0x70: {  	_ =	shalt  }
0x71: {  	_ =	shalt  }
0x72: {  	_ =	shalt  }
0x73: {  	_ =	shalt  }
0x74: {  	_ =	shalt  }
0x75: {  	_ =	shalt  }
0x76: {  	_ =	shalt  }
0x77: {  	_ =	shalt  }
0x78: {  	_ =	shalt  }
0x79: {  	_ =	shalt  }
0x7a: {  	_ =	shalt  }
0x7b: {  	_ =	shalt  }
0x7c: {  	_ =	shalt  }
0x7d: {  	_ =	shalt  }
0x7e: {  	_ =	shalt  }
0x7f: {  	_ =	shalt  }
0x80: {  	_ =	shalt  }
0x81: {  	_ =	shalt  }
0x82: {  	_ =	shalt  }
0x83: {  	_ =	shalt  }
0x84: {  	_ =	shalt  }
0x85: {  	_ =	shalt  }
0x86: {  	_ =	shalt  }
0x87: {  	_ =	shalt  }
.Lfunc_end0:
.L_simem_size_0:
called_computation.3_lowered:
.L_overlay_start_0:
0x88: {  	s2 =	sld [smem:$0x3FD9]  }
0x89: {  	s3 =	sld [smem:$0x3FFE];
	_ =	sdelay $0x1  }
0x8a: {  	s1 =	srdreg.scid  }
0x8b: {  	s0 =	sand.u32 $0x1, s1  }
0x8c: {  	s16 =	sshll.u32 s0, $0xA;
	s2 =	sadd.s32 s3, s2  }
0x8d: {  	s2 =	sadd.s32 s2, s16  }
0x8e: {  	[smem:$0x3FB3] =	sst s2  }
0x8f: {  	_ = 	snop  }
0x90: {  	(tm) =	ssettm $0x1  }
0x91: {  	s17 =	sld [smem:$0x3FFB];
	_ =	sdelay $0x3  }
0x92: {  	_ =	strace s17  }
0x93: {  	s2 =	sld [smem:$0x3FFC];
	_ =	sdelay $0x3  }
0x94: {  	_ =	strace s2  }
0x95: {  	s2 =	sld [smem:$0x3FFD];
	_ =	sdelay $0x3  }
0x96: {  	_ =	strace s2  }
0x97: {  	_ =	strace $0x8FFFFFFF  }
0x98: {  	s18 =	sld [smem:$0x3FDB];
	_ =	sdelay $0x1  }
0x99: {  	s19 =	simm.s32 $_scs_section_size  }
0x9a: {  	s4 =	simm.s32 $_size__tile_overlayer_lowered;
	s5 =	simm.s32 $_tile_overlayer_lowered  }
0x9b: {  	s22 =	simm.s32 $0x1BFF;
	s21 =	sshll.u32 s5, $0x1;
	s2 =	sadd.s32 s19, s18  }
0x9c: {  	s6 =	simm.s32 $0x0;
	s20 =	sshll.u32 s4, $0x1;
	s4 =	sadd.s32 s21, s2  }
0x9d: {  	[timem:s6], [sflag:s22] =	dma.local [hbm:s4], s20  }
0x9e: {  	_ =	swait.ge [sflag:s22], s20  }
0x9f: {  	s3 =	ssub.s32 $0x0, s20;
	[sflag:s22] =	ssyncset.done $0x0  }
0xa0: {  	[sflag:s22] =	ssyncadd.s32 s3;
	_ =	sdelay $0x1  }
0xa1: {  	s23 =	simm.s32 $0x1B8B  }
0xa2: {  	_ =	swait.ge [sflag:s23], $0x1  }
0xa3: {  	[sflag:s23] =	ssyncset.done $0x0  }
0xa4: {  	s25 =	simm.s32 $0x1B8E;
	s24 =	sld [smem:$0x3FFE];
	[sflag:s23] =	ssyncadd.s32 $0xFFFFFFFF  }
0xa5: {  	s26 =	simm.s32 $execute0_lowered;
	[smem:$0x3FD2] =	sst s25  }
0xa6: {  	s4 =	sshll.u32 s26, $0x1;
	_ =	strace $0x8000004F;
	[dreg:$0x1] =	wrdreg $0xFFFFFFFF  }
0xa7: {  	s28 =	simm.s32 $_size_execute0_lowered;
	s2 =	sadd.s32 s2, s4;
	[dreg:$0x0] =	wrdreg $0x0  }
0xa8: {  	s4 =	sshll.u32 s28, $0x1;
	[dreg:$0x2] =	wrdreg s2  }
0xa9: {  	[dreg:$0x3] =	wrdreg s4  }
0xaa: {  	[dreg:$0x4] =	wrdreg $0xC0  }
0xab: {  	_ =	task [dreg:s6], $0x5FFFF  }
0xac: {  	[dreg:$0x1] =	wrdreg $0xFFFFFFFF  }
0xad: {  	[dreg:$0x0] =	wrdreg $0x60  }
0xae: {  	[dreg:$0x2] =	wrdreg s24  }
0xaf: {  	[dreg:$0x3] =	wrdreg $0x81000  }
0xb0: {  	[dreg:$0x4] =	wrdreg $0x9  }
0xb1: {  	_ =	task.clear_ibuf [dreg:s6], $0x5FFFF;
	_ =	strace $0x9000004F  }
0xb2: {  	s29 =	simm.s32 $0x9;
	_ =	strace $0x80000051  }
0xb3: {  	_ =	swait.ge [sflag:s29], $0x1  }
0xb4: {  	[sflag:s29] =	ssyncadd.s32 $0xFFFFFFFF  }
0xb5: {  	_ =	strace $0x90000051  }
0xb6: {  	_ =	sfence  }
0xb7: {  	s30 =	sld [smem:$0x0];
	_ =	sdelay $0x2  }
0xb8: {  	s31 =	sshll.u32 s1, $0xD;
	s1 =	sshrl.u32 s1, $0x2  }
0xb9: {  	s3 =	sand.u32 $0x4000, s31;
	s1 =	sadd.s32 s1, s30  }
0xba: {  	s0 =	sor.u32 s3, s0;
	s1 =	sshll.u32 s1, $0x11  }
0xbb: {  	s0 =	sor.u32 s1, s0  }
0xbc: {  	s0 =	sadd.s32 $0x8F2B, s0  }
0xbd: {  	[sflag:s0] =	ssyncadd.remote.s32 $0x1  }
0xbe: {  	_ =	sfence.sel $0xFFFF  }
0xbf: {  	[dreg:$0x0] =	wrdreg $0xFFFFFFFF;
	(pc) =	sbr.abs _section_cstart, $3  }
0xc0: {  	[dreg:$0x1] =	wrdreg $0xFFFFFFFF  }
0xc1: {  	_ =	task.clear_ibuf [dreg:s6], $0x2FFFF;
	_ =	strace $0x9FFFFFFF  }
0xc2: {  	(tm) =	ssettm $0x7FFFFFFF  }
0xc3: {  	_ =	shalt  }
tec
execute0_lowered:
.L_overlay_start_1:
0x0: {  	(tag) =	ssettag $0x1  }
0x1: {  	s8 =	rddreg [dreg:$0x0]  }
0x2: {  	s2 =	rddreg [dreg:$0x1]  }
0x3: {  	s0 =	rddreg [dreg:$0x2];
	s4 =	srdreg.scid  }
0x4: {  	s1 =	stileid.u32;
	s3 =	simm.s32 $0x0;
	s20 =	simm.s32 $0x4100  }
0x5: {  	s21 =	simm.s32 $0x2;
	s22 =	simm.s32 $0x80;
	s23 =	simm.s32 $0x100  }
0x6: {  	s24 =	simm.s32 $0x1;
	s25 =	simm.s32 $0x0;
	s9 =	sand.u32 $0x1, s4  }
0x7: {  	s10 =	smul.u32 $0x280, s1;
	[smem:$0x7FF] =	sst s3;
	s4 =	sadd.s32 $0x22400, s8  }
0x8: {  	s5 =	sadd.s32 $0x18400, s8;
	s6 =	sadd.s32 $0x4400, s8;
	s12 =	smul.u32 $0x50000, s1  }
0x9: {  	s7 =	sadd.s32 $0xE400, s8;
	s11 =	smul.u32 $0x2800, s9;
	s28 =	ssub.s32 $0x2, s9  }
0xa: {  	_ =	strace $0x80000050;
	s9 =	sshll.u32 s9, $0x4;
	s29 =	sshrl.u32 s28, $0x1  }
0xb: {  	s9 =	sor.u32 s1, s9;
	s31 =	sshrl.u32 s12, $0x2;
	s10 =	sadd.s32 s11, s10  }
0xc: {  	s30 =	ssub.s32 s28, s29;
	s9 =	smul.u32 $0x2800, s9;
	s10 =	sshll.u32 s10, $0x4  }
0xd: {  	s19 =	sadd.s32 s10, s8;
	s8 =	sadd.s32 s31, s2;
	s10 =	smax.u32 s30, $0x1  }
0xe: {  	s11 =	sadd.s32 $0x4000, s8;
	s12 =	sadd.s32 $0x8000, s8;
	s13 =	sadd.s32 $0xC000, s8  }
0xf: {  	s14 =	sadd.s32 $0x10000, s8;
	s15 =	sadd.s32 $0x4A400, s19;
	s16 =	sadd.s32 $0x4AC00, s19  }
0x10: {  	s17 =	sadd.s32 $0x4B400, s19;
	s18 =	sadd.s32 $0x4BC00, s19;
	s19 =	sadd.s32 $0x4C400, s19  }
.LBB2_1:
0x11: {  	[tilespmem:s20], [sflag:$0x2] =	stream.linear.gather [hbm4b:s7+s3], $0x4000, $0x38;
	[tilespmem:$0x1C100] =	vst v63  }
0x12: {  	_ =	swait.ge [sflag:s21], $0x4000  }
0x13: {  	[sflag:s21] =	ssyncset.done $0x0  }
0x14: {  	[sflag:s21] =	ssyncadd.s32 $0xFFFFC000  }
0x15: {  	[spmem:s8] =	stream.linear.scatter [tilespmem:s20], [sflag:$0x2], $0x4000, $0x38;
	[tilespmem:$0x1C100] =	vst v63  }
0x16: {  	_ =	swait.ge [sflag:s21], $0x4000  }
0x17: {  	[sflag:s21] =	ssyncset.done $0x0  }
0x18: {  	[sflag:s21] =	ssyncadd.s32 $0xFFFFC000  }
0x19: {  	[spmem:s11] =	stream.linear.scatter [tilespmem:s20], [sflag:$0x2], $0x4000, $0x38;
	[tilespmem:$0x1C100] =	vst v63  }
0x1a: {  	_ =	swait.ge [sflag:s21], $0x4000  }
0x1b: {  	[sflag:s21] =	ssyncset.done $0x0  }
0x1c: {  	[sflag:s21] =	ssyncadd.s32 $0xFFFFC000  }
0x1d: {  	[spmem:s12] =	stream.linear.scatter [tilespmem:s20], [sflag:$0x2], $0x4000, $0x38;
	[tilespmem:$0x1C100] =	vst v63  }
0x1e: {  	_ =	swait.ge [sflag:s21], $0x4000  }
0x1f: {  	[sflag:s21] =	ssyncset.done $0x0  }
0x20: {  	[sflag:s21] =	ssyncadd.s32 $0xFFFFC000  }
0x21: {  	[spmem:s13] =	stream.linear.scatter [tilespmem:s20], [sflag:$0x2], $0x4000, $0x38;
	[tilespmem:$0x1C100] =	vst v63  }
0x22: {  	_ =	swait.ge [sflag:s21], $0x4000  }
0x23: {  	[sflag:s21] =	ssyncset.done $0x0  }
0x24: {  	s26 =	sand.u32 $0x3C00, s3;
	[sflag:s21] =	ssyncadd.s32 $0xFFFFC000  }
0x25: {  	[spmem:s14] =	stream.linear.scatter [tilespmem:s20], [sflag:$0x2], $0x4000, $0x38;
	[tilespmem:$0x1C100] =	vst v63  }
0x26: {  	s28 =	sand.u32 $0x380, s3;
	s26 =	sadd.s32 s9, s26;
	_ =	swait.ge [sflag:s21], $0x4000  }
0x27: {  	s26 =	sor.u32 s28, s26;
	[sflag:s21] =	ssyncset.done $0x0  }
0x28: {  	s26 =	sshrl.u32 s26, $0x3;
	[sflag:s21] =	ssyncadd.s32 $0xFFFFC000  }
0x29: {  	s28 =	sadd.s32 s5, s26;
	[bflag:$0x0] =	sbarrier.arrive $0xFFFF  }
0x2a: {  	[tilespmem:s3], [sflag:$0x2] =	stream.linear.gather [hbm4b:s28+s3], $0x80, $0x38;
	[tilespmem:$0x1C100] =	vst v63  }
0x2b: {  	_ =	swait.ge [sflag:s21], $0x80  }
0x2c: {  	[sflag:s21] =	ssyncset.done $0x0  }
0x2d: {  	s26 =	sadd.s32 s6, s26;
	[sflag:s21] =	ssyncadd.s32 $0xFFFFFF80  }
0x2e: {  	[tilespmem:s22], [sflag:$0x2] =	stream.linear.gather [hbm4b:s26+s3], $0x80, $0x38;
	[tilespmem:$0x1C100] =	vst v63  }
0x2f: {  	_ =	swait.ge [sflag:s21], $0x80  }
0x30: {  	[sflag:s21] =	ssyncset.done $0x0  }
0x31: {  	[sflag:s21] =	ssyncadd.s32 $0xFFFFFF80  }
0x32: {  	[tilespmem:s23], [sflag:$0x1] =	stream.indirect.gather [hbm4b:s4+s22], $0x80, s3, s22, $0xb8;
	[tilespmem:$0x1C100] =	vst v63  }
0x33: {  	_ =	swait.ge [sflag:s24], $0x4000  }
0x34: {  	s31 =	simm.s32 $0x80;
	[sflag:s24] =	ssyncset.done $0x0  }
0x35: {  	s28 =	sand.u32 $0x3C00, s31;
	[sflag:s24] =	ssyncadd.s32 $0xFFFFC000  }
0x36: {  	[spmem:s2] =	stream.indirect.scatter.add.f32 [tilespmem:s23], [sflag:$0x2], $0x80, s22, s22, $0xb8;
	[tilespmem:$0x1C100] =	vst v63  }
0x37: {  	s29 =	sand.u32 $0x380, s31;
	s28 =	sadd.s32 s9, s28;
	_ =	swait.ge [sflag:s21], $0x4000  }
0x38: {  	s28 =	sor.u32 s29, s28;
	s26 =	simm.s32 $0x100;
	[sflag:s21] =	ssyncset.done $0x0  }
.LBB2_2:
0x39: {  	s28 =	sshrl.u32 s28, $0x3  }
0x3a: {  	[sflag:s21] =	ssyncadd.s32 $0xFFFFC000;
	s29 =	smov.u32 s26;
	s30 =	sadd.s32 $0x80, s26  }
0x3b: {  	p0 =	sne.s32 s26, $0x2700;
	s26 =	sadd.s32 s5, s28  }
0x3c: {  	[tilespmem:s3], [sflag:$0x2] =	stream.linear.gather [hbm4b:s26+s3], $0x80, $0x38;
	[tilespmem:$0x1C100] =	vst v63  }
0x3d: {  	_ =	swait.ge [sflag:s21], $0x80  }
0x3e: {  	[sflag:s21] =	ssyncset.done $0x0  }
0x3f: {  	s26 =	sadd.s32 s6, s28;
	[sflag:s21] =	ssyncadd.s32 $0xFFFFFF80  }
0x40: {  	[tilespmem:s22], [sflag:$0x2] =	stream.linear.gather [hbm4b:s26+s3], $0x80, $0x38;
	[tilespmem:$0x1C100] =	vst v63  }
0x41: {  	_ =	swait.ge [sflag:s21], $0x80  }
0x42: {  	[sflag:s21] =	ssyncset.done $0x0  }
0x43: {  	[sflag:s21] =	ssyncadd.s32 $0xFFFFFF80  }
0x44: {  	[tilespmem:s23], [sflag:$0x1] =	stream.indirect.gather [hbm4b:s4+s22], $0x80, s3, s22, $0xb8;
	[tilespmem:$0x1C100] =	vst v63  }
0x45: {  	_ =	swait.ge [sflag:s24], $0x4000  }
.Ltmp0:
0x46: {  	[sflag:s24] =	ssyncset.done $0x0;
	(pc) =	sbr.rel @p0 .LBB2_2-.Ltmp0, $4  }
0x47: {  	s26 =	sand.u32 $0x3C00, s29;
	[sflag:s24] =	ssyncadd.s32 $0xFFFFC000  }
0x48: {  	[spmem:s2] =	stream.indirect.scatter.add.f32 [tilespmem:s23], [sflag:$0x2], $0x80, s22, s22, $0xb8;
	[tilespmem:$0x1C100] =	vst v63  }
0x49: {  	s28 =	sand.u32 $0x380, s29;
	s26 =	sadd.s32 s9, s26;
	_ =	swait.ge [sflag:s21], $0x4000  }
0x4a: {  	s28 =	sor.u32 s28, s26;
	s26 =	smov.u32 s30;
	[sflag:s21] =	ssyncset.done $0x0  }
0x4b: {  	s26 =	sshrl.u32 s28, $0x3  }
0x4c: {  	[sflag:s21] =	ssyncadd.s32 $0xFFFFC000;
	s28 =	sadd.s32 s5, s26  }
0x4d: {  	[tilespmem:s3], [sflag:$0x2] =	stream.linear.gather [hbm4b:s28+s3], $0x80, $0x38;
	[tilespmem:$0x1C100] =	vst v63  }
0x4e: {  	_ =	swait.ge [sflag:s21], $0x80  }
0x4f: {  	[sflag:s21] =	ssyncset.done $0x0  }
0x50: {  	s26 =	sadd.s32 s6, s26;
	[sflag:s21] =	ssyncadd.s32 $0xFFFFFF80  }
0x51: {  	[tilespmem:s22], [sflag:$0x2] =	stream.linear.gather [hbm4b:s26+s3], $0x80, $0x38;
	[tilespmem:$0x1C100] =	vst v63  }
0x52: {  	_ =	swait.ge [sflag:s21], $0x80  }
0x53: {  	[sflag:s21] =	ssyncset.done $0x0  }
0x54: {  	[sflag:s21] =	ssyncadd.s32 $0xFFFFFF80  }
0x55: {  	[tilespmem:s23], [sflag:$0x1] =	stream.indirect.gather [hbm4b:s4+s22], $0x80, s3, s22, $0xb8;
	[tilespmem:$0x1C100] =	vst v63  }
0x56: {  	_ =	swait.ge [sflag:s24], $0x4000  }
0x57: {  	[sflag:s24] =	ssyncset.done $0x0  }
0x58: {  	[sflag:s24] =	ssyncadd.s32 $0xFFFFC000  }
0x59: {  	[spmem:s2] =	stream.indirect.scatter.add.f32 [tilespmem:s23], [sflag:$0x2], $0x80, s22, s22, $0xb8;
	[tilespmem:$0x1C100] =	vst v63  }
0x5a: {  	_ =	swait.ge [sflag:s21], $0x4000  }
0x5b: {  	[sflag:s21] =	ssyncset.done $0x0  }
0x5c: {  	[sflag:s21] =	ssyncadd.s32 $0xFFFFC000  }
0x5d: {  	[bflag:$0x0] =	sbarrier.arrive $0xFFFF  }
0x5e: {  	[tilespmem:s20], [sflag:$0x2] =	stream.linear.gather [spmem:s8], $0x4000, $0x38;
	[tilespmem:$0x1C100] =	vst v63  }
0x5f: {  	_ =	swait.ge [sflag:s21], $0x4000  }
0x60: {  	[sflag:s21] =	ssyncset.done $0x0  }
0x61: {  	[sflag:s21] =	ssyncadd.s32 $0xFFFFC000  }
0x62: {  	[hbm4b:s15+s3] =	stream.linear.scatter [tilespmem:s20], [sflag:$0x2], $0x4000, $0x38;
	[tilespmem:$0x1C100] =	vst v63  }
0x63: {  	_ =	swait.ge [sflag:s21], $0x4000  }
0x64: {  	[sflag:s21] =	ssyncset.done $0x0  }
0x65: {  	[sflag:s21] =	ssyncadd.s32 $0xFFFFC000  }
0x66: {  	[tilespmem:s20], [sflag:$0x2] =	stream.linear.gather [spmem:s11], $0x4000, $0x38;
	[tilespmem:$0x1C100] =	vst v63  }
0x67: {  	_ =	swait.ge [sflag:s21], $0x4000  }
0x68: {  	[sflag:s21] =	ssyncset.done $0x0  }
0x69: {  	[sflag:s21] =	ssyncadd.s32 $0xFFFFC000  }
0x6a: {  	[hbm4b:s16+s3] =	stream.linear.scatter [tilespmem:s20], [sflag:$0x2], $0x4000, $0x38;
	[tilespmem:$0x1C100] =	vst v63  }
0x6b: {  	_ =	swait.ge [sflag:s21], $0x4000  }
0x6c: {  	[sflag:s21] =	ssyncset.done $0x0  }
0x6d: {  	[sflag:s21] =	ssyncadd.s32 $0xFFFFC000  }
0x6e: {  	[tilespmem:s20], [sflag:$0x2] =	stream.linear.gather [spmem:s12], $0x4000, $0x38;
	[tilespmem:$0x1C100] =	vst v63  }
0x6f: {  	_ =	swait.ge [sflag:s21], $0x4000  }
0x70: {  	[sflag:s21] =	ssyncset.done $0x0  }
0x71: {  	[sflag:s21] =	ssyncadd.s32 $0xFFFFC000  }
0x72: {  	[hbm4b:s17+s3] =	stream.linear.scatter [tilespmem:s20], [sflag:$0x2], $0x4000, $0x38;
	[tilespmem:$0x1C100] =	vst v63  }
0x73: {  	_ =	swait.ge [sflag:s21], $0x4000  }
0x74: {  	[sflag:s21] =	ssyncset.done $0x0  }
0x75: {  	[sflag:s21] =	ssyncadd.s32 $0xFFFFC000  }
0x76: {  	[tilespmem:s20], [sflag:$0x2] =	stream.linear.gather [spmem:s13], $0x4000, $0x38;
	[tilespmem:$0x1C100] =	vst v63  }
0x77: {  	_ =	swait.ge [sflag:s21], $0x4000  }
0x78: {  	[sflag:s21] =	ssyncset.done $0x0  }
0x79: {  	[sflag:s21] =	ssyncadd.s32 $0xFFFFC000  }
0x7a: {  	[hbm4b:s18+s3] =	stream.linear.scatter [tilespmem:s20], [sflag:$0x2], $0x4000, $0x38;
	[tilespmem:$0x1C100] =	vst v63  }
0x7b: {  	_ =	swait.ge [sflag:s21], $0x4000  }
0x7c: {  	[sflag:s21] =	ssyncset.done $0x0  }
0x7d: {  	[sflag:s21] =	ssyncadd.s32 $0xFFFFC000  }
0x7e: {  	[tilespmem:s20], [sflag:$0x2] =	stream.linear.gather [spmem:s14], $0x4000, $0x38;
	[tilespmem:$0x1C100] =	vst v63  }
0x7f: {  	s25 =	sadd.s32 $0x1, s25;
	_ =	swait.ge [sflag:s21], $0x4000  }
0x80: {  	p0 =	sne.s32 s25, s10;
	[sflag:s21] =	ssyncset.done $0x0  }
.Ltmp1:
0x81: {  	[sflag:s21] =	ssyncadd.s32 $0xFFFFC000;
	(pc) =	sbr.rel @p0 .LBB2_1-.Ltmp1, $4  }
0x82: {  	[hbm4b:s19+s3] =	stream.linear.scatter [tilespmem:s20], [sflag:$0x2], $0x4000, $0x38;
	[tilespmem:$0x1C100] =	vst v63  }
0x83: {  	_ =	swait.ge [sflag:s21], $0x4000  }
0x84: {  	[sflag:s21] =	ssyncset.done $0x0  }
0x85: {  	[sflag:s21] =	ssyncadd.s32 $0xFFFFC000  }
0x86: {  	_ =	sfence.sel $0x180000  }
0x87: {  	[bflag:$0x0] =	sbarrier.arrive $0xFFFF  }
0x88: {  	p0 =	sne.s32 s1, $0x0;
	_ =	strace $0x90000050  }
0x89: {  	s0 =	sadd.s32 @!p0 $0x100000, s0;
	[bflag:$0x2] =	sbarrier.arrive $0xFFFF  }
0x8a: {  	[sflag:s0] =	ssyncadd.tile.s32 @!p0 $0x1;
	_ =	shalt  }
.Lfunc_end2:
_tile_overlayer_lowered:
.L_overlay_start_2:
0x8b: {  	(tag) =	ssettag $0x2  }
0x8c: {  	s0 =	rddreg [dreg:$0x0];
	s2 =	stileid.u32  }
0x8d: {  	s1 =	rddreg [dreg:$0x1];
	p0 =	sne.s32 s2, $0x0  }
0x8e: {  	s3 =	rddreg [dreg:$0x2];
	[bflag:$0x3] =	sbarrier.arrive $0xFFFF;
	s2 =	simm.s32 @!p0 $0x1C02  }
0x8f: {  	[timem:s3], [sflag:s2] =	dma.local @!p0 [hbm:s0], s1  }
0x90: {  	s0 =	simm.s32 @!p0 $0x2  }
0x91: {  	_ =	swait.ge @!p0 [sflag:s0], s1  }
0x92: {  	s1 =	ssub.s32 @!p0 $0x0, s1;
	[sflag:s0] =	ssyncset.done @!p0 $0x0  }
0x93: {  	[sflag:s0] =	ssyncadd.s32 @!p0 s1  }
0x94: {  	[bflag:$0x3] =	sbarrier.arrive $0xFFFF  }
0x95: {  	_ =	shalt  }

</sc_bundles>
